<compile_context>
chip_gen: v7x
topology: tpu7x:2x2x1
jax: 0.10.2.dev20260603
libtpu: 0.0.44.dev20260713+nightly
codegen_flags: <defaults>
</compile_context>

<pallas_src>
import functools

import jax
import jax.numpy as jnp
from jax import lax
from jax.experimental import pallas as pl
from jax.experimental.pallas import tpu as pltpu
from jax.experimental.pallas import tpu_sc as plsc

_BATCH = 4
_SEQ = 2048
_DIMS = 1024

_info = plsc.get_sparse_core_info()
_NC, _NS = _info.num_cores, _info.num_subcores
_NW = _NC * _NS
_ROWS_PER_W = _SEQ // _NW


def _make_gather_broadcast():
  mesh = plsc.VectorSubcoreMesh(core_axis_name="c", subcore_axis_name="s")

  n_chunks = 4
  rows_per_chunk = _ROWS_PER_W // n_chunks

  @functools.partial(
      pl.kernel,
      mesh=mesh,
      out_type=jax.ShapeDtypeStruct((_BATCH, _SEQ, _DIMS), jnp.float32),
      scratch_types=[
          pltpu.VMEM((_ROWS_PER_W,), jnp.int32),
          pltpu.VMEM((_ROWS_PER_W, _DIMS), jnp.float32),
          pltpu.SemaphoreType.DMA,
          pltpu.SemaphoreType.DMA,
      ],
  )
  def gather_broadcast(table_hbm, idx_hbm, out_hbm, idx_v, rows_v, sem_g,
                       sem_w):
    wid = lax.axis_index("c") * _NS + lax.axis_index("s")
    base = wid * _ROWS_PER_W
    pltpu.sync_copy(idx_hbm.at[pl.ds(base, _ROWS_PER_W)], idx_v)
    gathers = [
        pltpu.async_copy(
            table_hbm.at[idx_v.at[pl.ds(c * rows_per_chunk, rows_per_chunk)]],
            rows_v.at[pl.ds(c * rows_per_chunk, rows_per_chunk)],
            sem_g,
        )
        for c in range(n_chunks)
    ]
    writes = []
    for c in range(n_chunks):
      gathers[c].wait()
      lo = base + c * rows_per_chunk
      writes += [
          pltpu.async_copy(
              rows_v.at[pl.ds(c * rows_per_chunk, rows_per_chunk)],
              out_hbm.at[b, pl.ds(lo, rows_per_chunk)],
              sem_w,
          )
          for b in range(_BATCH)
      ]
    for w in writes:
      w.wait()

  return gather_broadcast


_gather_broadcast = _make_gather_broadcast()


def kernel(x, E_absolute_position, relative_index):
  del x
  return _gather_broadcast(E_absolute_position, relative_index)

# --- scband reference (transcript-rebuilt; emitter-appended) ---
"""Pipeline reference for scband-absolute-position-encoding-23880018165950 (READ-ONLY COPY).

The authoritative reference and input builder live on the scoring server;
editing this copy changes nothing except your own understanding.
"""

import jax, jax.numpy as jnp
import numpy as np

OBJECT_MAX_NUM = 256
ATTRIBUTES_NUM = 8
E_DIMS = 1024
BATCH = 4
SEQ_LEN = OBJECT_MAX_NUM * ATTRIBUTES_NUM  # 2048


def setup_inputs(seed: int = 0) -> dict:
    key = jax.random.key(seed)
    k1, k2 = jax.random.split(key)
    x = jax.random.normal(k1, (BATCH, SEQ_LEN, E_DIMS), dtype=jnp.float32)
    E_absolute_position = jax.random.normal(
        k2, (OBJECT_MAX_NUM * ATTRIBUTES_NUM, E_DIMS), dtype=jnp.float32
    )
    relative_index = jnp.arange(OBJECT_MAX_NUM * ATTRIBUTES_NUM, dtype=jnp.int32)
    return {
        "x": x,
        "E_absolute_position": E_absolute_position,
        "relative_index": relative_index,
    }


def reference(x, E_absolute_position, relative_index):
    batch_size = x.shape[0]
    seq_length = x.shape[1]
    e_dims = E_absolute_position.shape[1]
    # index_select on dim 0 (gather of position embeddings)
    out = jnp.take(E_absolute_position, relative_index, axis=0)
    # torch .expand -> broadcast without copy
    out = jnp.broadcast_to(out, (batch_size, seq_length, e_dims))
    return out

if __name__ == "__main__":
    import jax
    _d = setup_inputs()
    print(jax.jit(kernel)(*tuple(_d.values())))

</pallas_src>

<mosaic_0001>
#map = affine_map<(d0, d1) -> (0, 0)>
#map1 = affine_map<(d0, d1) -> (0)>
#map2 = affine_map<(d0, d1) -> (0, 0, 0)>
module attributes {stable_mosaic.version = 14 : i64} {
  func.func @gather_broadcast(%arg0: i32, %arg1: i32, %arg2: memref<2048x1024xf32, #tpu.memory_space<hbm>>, %arg3: memref<2048xi32, #tpu.memory_space<hbm>>, %arg4: memref<4x2048x1024xf32, #tpu.memory_space<hbm>>, %arg5: memref<64xi32, #tpu.memory_space<vmem>>, %arg6: memref<64x1024xf32, #tpu.memory_space<vmem>>, %arg7: memref<!tpu.dma_semaphore, #tpu.memory_space<semaphore_mem>>, %arg8: memref<!tpu.dma_semaphore, #tpu.memory_space<semaphore_mem>>) attributes {dimension_semantics = [#tpu.dimension_semantics<core_parallel>, #tpu.dimension_semantics<subcore_parallel>], iteration_bounds = array<i64: 2, 16>, scalar_prefetch = 0 : i64, scratch_operands = 4 : i64, tpu.core_type = #tpu.core_type<sc_vector_subcore>, window_params = [{transform_indices = #map}, {transform_indices = #map1}, {transform_indices = #map2}]} {
    %mul3A = arith.constant 16 : i32
    %mul3A_0 = arith.muli %arg0, %mul3A : i32
    %add3A = arith.addi %mul3A_0, %arg1 : i32
    %mul3A_1 = arith.constant 64 : i32
    %mul3A_2 = arith.muli %add3A, %mul3A_1 : i32
    "tpu.region"() ({
      %run_scoped3A = tpu.sem_alloc : memref<!tpu.dma_semaphore, #tpu.memory_space<semaphore_mem>>
      %dma_start3A_489 = tpu.memref_slice %arg3[%mul3A_2] : memref<2048xi32, #tpu.memory_space<hbm>> -> memref<64xi32, #tpu.memory_space<hbm>>
      %dma_start3A_490 = tpu.memref_slice %arg3[%mul3A_2] : memref<2048xi32, #tpu.memory_space<hbm>> -> memref<64xi32, #tpu.memory_space<hbm>>
      tpu.enqueue_dma source(%dma_start3A_490 : memref<64xi32, #tpu.memory_space<hbm>>) target(%arg5 : memref<64xi32, #tpu.memory_space<vmem>>) target_semaphore(%run_scoped3A : memref<!tpu.dma_semaphore, #tpu.memory_space<semaphore_mem>>)
      %dma_wait3A_491 = tpu.memref_slice %arg3[%mul3A_2] : memref<2048xi32, #tpu.memory_space<hbm>> -> memref<64xi32, #tpu.memory_space<hbm>>
      %dma_wait3A_492 = tpu.memref_slice %arg3[%mul3A_2] : memref<2048xi32, #tpu.memory_space<hbm>> -> memref<64xi32, #tpu.memory_space<hbm>>
      tpu.wait_dma2 semaphore(%run_scoped3A : memref<!tpu.dma_semaphore, #tpu.memory_space<semaphore_mem>>) src(%dma_wait3A_492 : memref<64xi32, #tpu.memory_space<hbm>>) dst(%arg5 : memref<64xi32, #tpu.memory_space<vmem>>)
      tpu.yield
    }) : () -> ()
    %dma_start3A = arith.constant 0 : i32
    %dma_start3A_3 = arith.constant 0 : i32
    %dma_start3A_4 = tpu.memref_slice %arg6[%dma_start3A, %dma_start3A_3] : memref<64x1024xf32, #tpu.memory_space<vmem>> -> memref<16x1024xf32, #tpu.memory_space<vmem>>
    %dma_start3A_5 = arith.constant 0 : i32
    %dma_start3A_6 = tpu.memref_slice %arg5[%dma_start3A_5] : memref<64xi32, #tpu.memory_space<vmem>> -> memref<16xi32, #tpu.memory_space<vmem>>
    %dma_start3A_7 = arith.constant 0 : i32
    %dma_start3A_8 = arith.constant 0 : i32
    %dma_start3A_9 = tpu.memref_slice %arg2[%dma_start3A_7, %dma_start3A_8] : memref<2048x1024xf32, #tpu.memory_space<hbm>> -> memref<2048x1024xf32, #tpu.memory_space<hbm>>
    tpu.enqueue_indirect_dma source(%dma_start3A_9 : memref<2048x1024xf32, #tpu.memory_space<hbm>>) target(%dma_start3A_4 : memref<16x1024xf32, #tpu.memory_space<vmem>>) offsets(%dma_start3A_6 : memref<16xi32, #tpu.memory_space<vmem>>) semaphore(%arg7 : memref<!tpu.dma_semaphore, #tpu.memory_space<semaphore_mem>>)
    %dma_start3A_10 = arith.constant 16 : i32
    %dma_start3A_11 = arith.constant 0 : i32
    %dma_start3A_12 = tpu.memref_slice %arg6[%dma_start3A_10, %dma_start3A_11] : memref<64x1024xf32, #tpu.memory_space<vmem>> -> memref<16x1024xf32, #tpu.memory_space<vmem>>
    %dma_start3A_13 = arith.constant 16 : i32
    %dma_start3A_14 = tpu.memref_slice %arg5[%dma_start3A_13] : memref<64xi32, #tpu.memory_space<vmem>> -> memref<16xi32, #tpu.memory_space<vmem>>
    %dma_start3A_15 = arith.constant 0 : i32
    %dma_start3A_16 = arith.constant 0 : i32
    %dma_start3A_17 = tpu.memref_slice %arg2[%dma_start3A_15, %dma_start3A_16] : memref<2048x1024xf32, #tpu.memory_space<hbm>> -> memref<2048x1024xf32, #tpu.memory_space<hbm>>
    tpu.enqueue_indirect_dma source(%dma_start3A_17 : memref<2048x1024xf32, #tpu.memory_space<hbm>>) target(%dma_start3A_12 : memref<16x1024xf32, #tpu.memory_space<vmem>>) offsets(%dma_start3A_14 : memref<16xi32, #tpu.memory_space<vmem>>) semaphore(%arg7 : memref<!tpu.dma_semaphore, #tpu.memory_space<semaphore_mem>>)
    %dma_start3A_18 = arith.constant 32 : i32
    %dma_start3A_19 = arith.constant 0 : i32
    %dma_start3A_20 = tpu.memref_slice %arg6[%dma_start3A_18, %dma_start3A_19] : memref<64x1024xf32, #tpu.memory_space<vmem>> -> memref<16x1024xf32, #tpu.memory_space<vmem>>
    %dma_start3A_21 = arith.constant 32 : i32
    %dma_start3A_22 = tpu.memref_slice %arg5[%dma_start3A_21] : memref<64xi32, #tpu.memory_space<vmem>> -> memref<16xi32, #tpu.memory_space<vmem>>
    %dma_start3A_23 = arith.constant 0 : i32
    %dma_start3A_24 = arith.constant 0 : i32
    %dma_start3A_25 = tpu.memref_slice %arg2[%dma_start3A_23, %dma_start3A_24] : memref<2048x1024xf32, #tpu.memory_space<hbm>> -> memref<2048x1024xf32, #tpu.memory_space<hbm>>
    tpu.enqueue_indirect_dma source(%dma_start3A_25 : memref<2048x1024xf32, #tpu.memory_space<hbm>>) target(%dma_start3A_20 : memref<16x1024xf32, #tpu.memory_space<vmem>>) offsets(%dma_start3A_22 : memref<16xi32, #tpu.memory_space<vmem>>) semaphore(%arg7 : memref<!tpu.dma_semaphore, #tpu.memory_space<semaphore_mem>>)
    %dma_start3A_26 = arith.constant 48 : i32
    %dma_start3A_27 = arith.constant 0 : i32
    %dma_start3A_28 = tpu.memref_slice %arg6[%dma_start3A_26, %dma_start3A_27] : memref<64x1024xf32, #tpu.memory_space<vmem>> -> memref<16x1024xf32, #tpu.memory_space<vmem>>
    %dma_start3A_29 = arith.constant 48 : i32
    %dma_start3A_30 = tpu.memref_slice %arg5[%dma_start3A_29] : memref<64xi32, #tpu.memory_space<vmem>> -> memref<16xi32, #tpu.memory_space<vmem>>
    %dma_start3A_31 = arith.constant 0 : i32
    %dma_start3A_32 = arith.constant 0 : i32
    %dma_start3A_33 = tpu.memref_slice %arg2[%dma_start3A_31, %dma_start3A_32] : memref<2048x1024xf32, #tpu.memory_space<hbm>> -> memref<2048x1024xf32, #tpu.memory_space<hbm>>
    tpu.enqueue_indirect_dma source(%dma_start3A_33 : memref<2048x1024xf32, #tpu.memory_space<hbm>>) target(%dma_start3A_28 : memref<16x1024xf32, #tpu.memory_space<vmem>>) offsets(%dma_start3A_30 : memref<16xi32, #tpu.memory_space<vmem>>) semaphore(%arg7 : memref<!tpu.dma_semaphore, #tpu.memory_space<semaphore_mem>>)
    %dma_wait3A = arith.constant 0 : i32
    %dma_wait3A_34 = arith.constant 0 : i32
    %dma_wait3A_35 = tpu.memref_slice %arg6[%dma_wait3A, %dma_wait3A_34] : memref<64x1024xf32, #tpu.memory_space<vmem>> -> memref<16x1024xf32, #tpu.memory_space<vmem>>
    %dma_wait3A_36 = arith.constant 0 : i32
    %dma_wait3A_37 = tpu.memref_slice %arg5[%dma_wait3A_36] : memref<64xi32, #tpu.memory_space<vmem>> -> memref<16xi32, #tpu.memory_space<vmem>>
    %dma_wait3A_38 = arith.constant 0 : i32
    %dma_wait3A_39 = arith.constant 0 : i32
    %dma_wait3A_40 = tpu.memref_slice %arg2[%dma_wait3A_38, %dma_wait3A_39] : memref<2048x1024xf32, #tpu.memory_space<hbm>> -> memref<2048x1024xf32, #tpu.memory_space<hbm>>
    tpu.wait_indirect_dma semaphore(%arg7 : memref<!tpu.dma_semaphore, #tpu.memory_space<semaphore_mem>>) src(%dma_wait3A_40 : memref<2048x1024xf32, #tpu.memory_space<hbm>>) dst(%dma_wait3A_35 : memref<16x1024xf32, #tpu.memory_space<vmem>>)
    %add3A_41 = arith.constant 0 : i32
    %add3A_42 = arith.addi %mul3A_2, %add3A_41 : i32
    %dma_start3A_43 = arith.constant 0 : i32
    %dma_start3A_44 = arith.constant 0 : i32
    %dma_start3A_45 = arith.constant 0 : i32
    %dma_start3A_46 = tpu.memref_slice %arg6[%dma_start3A_44, %dma_start3A_45] : memref<64x1024xf32, #tpu.memory_space<vmem>> -> memref<16x1024xf32, #tpu.memory_space<vmem>>
    %dma_start3A_47 = arith.constant 0 : i32
    %dma_start3A_48 = tpu.memref_slice %arg4[%dma_start3A_43, %add3A_42, %dma_start3A_47] : memref<4x2048x1024xf32, #tpu.memory_space<hbm>> -> memref<1x16x1024xf32, #tpu.memory_space<hbm>>
    %dma_start3A_49 = tpu.memref_squeeze %dma_start3A_48 : memref<1x16x1024xf32, #tpu.memory_space<hbm>> -> memref<16x1024xf32, #tpu.memory_space<hbm>>
    %dma_start3A_50 = arith.constant 0 : i32
    %dma_start3A_51 = tpu.memref_slice %arg4[%dma_start3A_43, %add3A_42, %dma_start3A_50] : memref<4x2048x1024xf32, #tpu.memory_space<hbm>> -> memref<1x16x1024xf32, #tpu.memory_space<hbm>>
    %dma_start3A_52 = tpu.memref_squeeze %dma_start3A_51 : memref<1x16x1024xf32, #tpu.memory_space<hbm>> -> memref<16x1024xf32, #tpu.memory_space<hbm>>
    %dma_start3A_53 = arith.constant 0 : i32
    %dma_start3A_54 = arith.constant 0 : i32
    %dma_start3A_55 = tpu.memref_slice %arg6[%dma_start3A_53, %dma_start3A_54] : memref<64x1024xf32, #tpu.memory_space<vmem>> -> memref<16x1024xf32, #tpu.memory_space<vmem>>
    tpu.enqueue_dma source(%dma_start3A_55 : memref<16x1024xf32, #tpu.memory_space<vmem>>) target(%dma_start3A_52 : memref<16x1024xf32, #tpu.memory_space<hbm>>) target_semaphore(%arg8 : memref<!tpu.dma_semaphore, #tpu.memory_space<semaphore_mem>>)
    %dma_start3A_56 = arith.constant 1 : i32
    %dma_start3A_57 = arith.constant 0 : i32
    %dma_start3A_58 = arith.constant 0 : i32
    %dma_start3A_59 = tpu.memref_slice %arg6[%dma_start3A_57, %dma_start3A_58] : memref<64x1024xf32, #tpu.memory_space<vmem>> -> memref<16x1024xf32, #tpu.memory_space<vmem>>
    %dma_start3A_60 = arith.constant 0 : i32
    %dma_start3A_61 = tpu.memref_slice %arg4[%dma_start3A_56, %add3A_42, %dma_start3A_60] : memref<4x2048x1024xf32, #tpu.memory_space<hbm>> -> memref<1x16x1024xf32, #tpu.memory_space<hbm>>
    %dma_start3A_62 = tpu.memref_squeeze %dma_start3A_61 : memref<1x16x1024xf32, #tpu.memory_space<hbm>> -> memref<16x1024xf32, #tpu.memory_space<hbm>>
    %dma_start3A_63 = arith.constant 0 : i32
    %dma_start3A_64 = tpu.memref_slice %arg4[%dma_start3A_56, %add3A_42, %dma_start3A_63] : memref<4x2048x1024xf32, #tpu.memory_space<hbm>> -> memref<1x16x1024xf32, #tpu.memory_space<hbm>>
    %dma_start3A_65 = tpu.memref_squeeze %dma_start3A_64 : memref<1x16x1024xf32, #tpu.memory_space<hbm>> -> memref<16x1024xf32, #tpu.memory_space<hbm>>
    %dma_start3A_66 = arith.constant 0 : i32
    %dma_start3A_67 = arith.constant 0 : i32
    %dma_start3A_68 = tpu.memref_slice %arg6[%dma_start3A_66, %dma_start3A_67] : memref<64x1024xf32, #tpu.memory_space<vmem>> -> memref<16x1024xf32, #tpu.memory_space<vmem>>
    tpu.enqueue_dma source(%dma_start3A_68 : memref<16x1024xf32, #tpu.memory_space<vmem>>) target(%dma_start3A_65 : memref<16x1024xf32, #tpu.memory_space<hbm>>) target_semaphore(%arg8 : memref<!tpu.dma_semaphore, #tpu.memory_space<semaphore_mem>>)
    %dma_start3A_69 = arith.constant 2 : i32
    %dma_start3A_70 = arith.constant 0 : i32
    %dma_start3A_71 = arith.constant 0 : i32
    %dma_start3A_72 = tpu.memref_slice %arg6[%dma_start3A_70, %dma_start3A_71] : memref<64x1024xf32, #tpu.memory_space<vmem>> -> memref<16x1024xf32, #tpu.memory_space<vmem>>
    %dma_start3A_73 = arith.constant 0 : i32
    %dma_start3A_74 = tpu.memref_slice %arg4[%dma_start3A_69, %add3A_42, %dma_start3A_73] : memref<4x2048x1024xf32, #tpu.memory_space<hbm>> -> memref<1x16x1024xf32, #tpu.memory_space<hbm>>
    %dma_start3A_75 = tpu.memref_squeeze %dma_start3A_74 : memref<1x16x1024xf32, #tpu.memory_space<hbm>> -> memref<16x1024xf32, #tpu.memory_space<hbm>>
    %dma_start3A_76 = arith.constant 0 : i32
    %dma_start3A_77 = tpu.memref_slice %arg4[%dma_start3A_69, %add3A_42, %dma_start3A_76] : memref<4x2048x1024xf32, #tpu.memory_space<hbm>> -> memref<1x16x1024xf32, #tpu.memory_space<hbm>>
    %dma_start3A_78 = tpu.memref_squeeze %dma_start3A_77 : memref<1x16x1024xf32, #tpu.memory_space<hbm>> -> memref<16x1024xf32, #tpu.memory_space<hbm>>
    %dma_start3A_79 = arith.constant 0 : i32
    %dma_start3A_80 = arith.constant 0 : i32
    %dma_start3A_81 = tpu.memref_slice %arg6[%dma_start3A_79, %dma_start3A_80] : memref<64x1024xf32, #tpu.memory_space<vmem>> -> memref<16x1024xf32, #tpu.memory_space<vmem>>
    tpu.enqueue_dma source(%dma_start3A_81 : memref<16x1024xf32, #tpu.memory_space<vmem>>) target(%dma_start3A_78 : memref<16x1024xf32, #tpu.memory_space<hbm>>) target_semaphore(%arg8 : memref<!tpu.dma_semaphore, #tpu.memory_space<semaphore_mem>>)
    %dma_start3A_82 = arith.constant 3 : i32
    %dma_start3A_83 = arith.constant 0 : i32
    %dma_start3A_84 = arith.constant 0 : i32
    %dma_start3A_85 = tpu.memref_slice %arg6[%dma_start3A_83, %dma_start3A_84] : memref<64x1024xf32, #tpu.memory_space<vmem>> -> memref<16x1024xf32, #tpu.memory_space<vmem>>
    %dma_start3A_86 = arith.constant 0 : i32
    %dma_start3A_87 = tpu.memref_slice %arg4[%dma_start3A_82, %add3A_42, %dma_start3A_86] : memref<4x2048x1024xf32, #tpu.memory_space<hbm>> -> memref<1x16x1024xf32, #tpu.memory_space<hbm>>
    %dma_start3A_88 = tpu.memref_squeeze %dma_start3A_87 : memref<1x16x1024xf32, #tpu.memory_space<hbm>> -> memref<16x1024xf32, #tpu.memory_space<hbm>>
    %dma_start3A_89 = arith.constant 0 : i32
    %dma_start3A_90 = tpu.memref_slice %arg4[%dma_start3A_82, %add3A_42, %dma_start3A_89] : memref<4x2048x1024xf32, #tpu.memory_space<hbm>> -> memref<1x16x1024xf32, #tpu.memory_space<hbm>>
    %dma_start3A_91 = tpu.memref_squeeze %dma_start3A_90 : memref<1x16x1024xf32, #tpu.memory_space<hbm>> -> memref<16x1024xf32, #tpu.memory_space<hbm>>
    %dma_start3A_92 = arith.constant 0 : i32
    %dma_start3A_93 = arith.constant 0 : i32
    %dma_start3A_94 = tpu.memref_slice %arg6[%dma_start3A_92, %dma_start3A_93] : memref<64x1024xf32, #tpu.memory_space<vmem>> -> memref<16x1024xf32, #tpu.memory_space<vmem>>
    tpu.enqueue_dma source(%dma_start3A_94 : memref<16x1024xf32, #tpu.memory_space<vmem>>) target(%dma_start3A_91 : memref<16x1024xf32, #tpu.memory_space<hbm>>) target_semaphore(%arg8 : memref<!tpu.dma_semaphore, #tpu.memory_space<semaphore_mem>>)
    %dma_wait3A_95 = arith.constant 16 : i32
    %dma_wait3A_96 = arith.constant 0 : i32
    %dma_wait3A_97 = tpu.memref_slice %arg6[%dma_wait3A_95, %dma_wait3A_96] : memref<64x1024xf32, #tpu.memory_space<vmem>> -> memref<16x1024xf32, #tpu.memory_space<vmem>>
    %dma_wait3A_98 = arith.constant 16 : i32
    %dma_wait3A_99 = tpu.memref_slice %arg5[%dma_wait3A_98] : memref<64xi32, #tpu.memory_space<vmem>> -> memref<16xi32, #tpu.memory_space<vmem>>
    %dma_wait3A_100 = arith.constant 0 : i32
    %dma_wait3A_101 = arith.constant 0 : i32
    %dma_wait3A_102 = tpu.memref_slice %arg2[%dma_wait3A_100, %dma_wait3A_101] : memref<2048x1024xf32, #tpu.memory_space<hbm>> -> memref<2048x1024xf32, #tpu.memory_space<hbm>>
    tpu.wait_indirect_dma semaphore(%arg7 : memref<!tpu.dma_semaphore, #tpu.memory_space<semaphore_mem>>) src(%dma_wait3A_102 : memref<2048x1024xf32, #tpu.memory_space<hbm>>) dst(%dma_wait3A_97 : memref<16x1024xf32, #tpu.memory_space<vmem>>)
    %add3A_103 = arith.constant 16 : i32
    %add3A_104 = arith.addi %mul3A_2, %add3A_103 : i32
    %dma_start3A_105 = arith.constant 0 : i32
    %dma_start3A_106 = arith.constant 16 : i32
    %dma_start3A_107 = arith.constant 0 : i32
    %dma_start3A_108 = tpu.memref_slice %arg6[%dma_start3A_106, %dma_start3A_107] : memref<64x1024xf32, #tpu.memory_space<vmem>> -> memref<16x1024xf32, #tpu.memory_space<vmem>>
    %dma_start3A_109 = arith.constant 0 : i32
    %dma_start3A_110 = tpu.memref_slice %arg4[%dma_start3A_105, %add3A_104, %dma_start3A_109] : memref<4x2048x1024xf32, #tpu.memory_space<hbm>> -> memref<1x16x1024xf32, #tpu.memory_space<hbm>>
    %dma_start3A_111 = tpu.memref_squeeze %dma_start3A_110 : memref<1x16x1024xf32, #tpu.memory_space<hbm>> -> memref<16x1024xf32, #tpu.memory_space<hbm>>
    %dma_start3A_112 = arith.constant 0 : i32
    %dma_start3A_113 = tpu.memref_slice %arg4[%dma_start3A_105, %add3A_104, %dma_start3A_112] : memref<4x2048x1024xf32, #tpu.memory_space<hbm>> -> memref<1x16x1024xf32, #tpu.memory_space<hbm>>
    %dma_start3A_114 = tpu.memref_squeeze %dma_start3A_113 : memref<1x16x1024xf32, #tpu.memory_space<hbm>> -> memref<16x1024xf32, #tpu.memory_space<hbm>>
    %dma_start3A_115 = arith.constant 16 : i32
    %dma_start3A_116 = arith.constant 0 : i32
    %dma_start3A_117 = tpu.memref_slice %arg6[%dma_start3A_115, %dma_start3A_116] : memref<64x1024xf32, #tpu.memory_space<vmem>> -> memref<16x1024xf32, #tpu.memory_space<vmem>>
    tpu.enqueue_dma source(%dma_start3A_117 : memref<16x1024xf32, #tpu.memory_space<vmem>>) target(%dma_start3A_114 : memref<16x1024xf32, #tpu.memory_space<hbm>>) target_semaphore(%arg8 : memref<!tpu.dma_semaphore, #tpu.memory_space<semaphore_mem>>)
    %dma_start3A_118 = arith.constant 1 : i32
    %dma_start3A_119 = arith.constant 16 : i32
    %dma_start3A_120 = arith.constant 0 : i32
    %dma_start3A_121 = tpu.memref_slice %arg6[%dma_start3A_119, %dma_start3A_120] : memref<64x1024xf32, #tpu.memory_space<vmem>> -> memref<16x1024xf32, #tpu.memory_space<vmem>>
    %dma_start3A_122 = arith.constant 0 : i32
    %dma_start3A_123 = tpu.memref_slice %arg4[%dma_start3A_118, %add3A_104, %dma_start3A_122] : memref<4x2048x1024xf32, #tpu.memory_space<hbm>> -> memref<1x16x1024xf32, #tpu.memory_space<hbm>>
    %dma_start3A_124 = tpu.memref_squeeze %dma_start3A_123 : memref<1x16x1024xf32, #tpu.memory_space<hbm>> -> memref<16x1024xf32, #tpu.memory_space<hbm>>
    %dma_start3A_125 = arith.constant 0 : i32
    %dma_start3A_126 = tpu.memref_slice %arg4[%dma_start3A_118, %add3A_104, %dma_start3A_125] : memref<4x2048x1024xf32, #tpu.memory_space<hbm>> -> memref<1x16x1024xf32, #tpu.memory_space<hbm>>
    %dma_start3A_127 = tpu.memref_squeeze %dma_start3A_126 : memref<1x16x1024xf32, #tpu.memory_space<hbm>> -> memref<16x1024xf32, #tpu.memory_space<hbm>>
    %dma_start3A_128 = arith.constant 16 : i32
    %dma_start3A_129 = arith.constant 0 : i32
    %dma_start3A_130 = tpu.memref_slice %arg6[%dma_start3A_128, %dma_start3A_129] : memref<64x1024xf32, #tpu.memory_space<vmem>> -> memref<16x1024xf32, #tpu.memory_space<vmem>>
    tpu.enqueue_dma source(%dma_start3A_130 : memref<16x1024xf32, #tpu.memory_space<vmem>>) target(%dma_start3A_127 : memref<16x1024xf32, #tpu.memory_space<hbm>>) target_semaphore(%arg8 : memref<!tpu.dma_semaphore, #tpu.memory_space<semaphore_mem>>)
    %dma_start3A_131 = arith.constant 2 : i32
    %dma_start3A_132 = arith.constant 16 : i32
    %dma_start3A_133 = arith.constant 0 : i32
    %dma_start3A_134 = tpu.memref_slice %arg6[%dma_start3A_132, %dma_start3A_133] : memref<64x1024xf32, #tpu.memory_space<vmem>> -> memref<16x1024xf32, #tpu.memory_space<vmem>>
    %dma_start3A_135 = arith.constant 0 : i32
    %dma_start3A_136 = tpu.memref_slice %arg4[%dma_start3A_131, %add3A_104, %dma_start3A_135] : memref<4x2048x1024xf32, #tpu.memory_space<hbm>> -> memref<1x16x1024xf32, #tpu.memory_space<hbm>>
    %dma_start3A_137 = tpu.memref_squeeze %dma_start3A_136 : memref<1x16x1024xf32, #tpu.memory_space<hbm>> -> memref<16x1024xf32, #tpu.memory_space<hbm>>
    %dma_start3A_138 = arith.constant 0 : i32
    %dma_start3A_139 = tpu.memref_slice %arg4[%dma_start3A_131, %add3A_104, %dma_start3A_138] : memref<4x2048x1024xf32, #tpu.memory_space<hbm>> -> memref<1x16x1024xf32, #tpu.memory_space<hbm>>
    %dma_start3A_140 = tpu.memref_squeeze %dma_start3A_139 : memref<1x16x1024xf32, #tpu.memory_space<hbm>> -> memref<16x1024xf32, #tpu.memory_space<hbm>>
    %dma_start3A_141 = arith.constant 16 : i32
    %dma_start3A_142 = arith.constant 0 : i32
    %dma_start3A_143 = tpu.memref_slice %arg6[%dma_start3A_141, %dma_start3A_142] : memref<64x1024xf32, #tpu.memory_space<vmem>> -> memref<16x1024xf32, #tpu.memory_space<vmem>>
    tpu.enqueue_dma source(%dma_start3A_143 : memref<16x1024xf32, #tpu.memory_space<vmem>>) target(%dma_start3A_140 : memref<16x1024xf32, #tpu.memory_space<hbm>>) target_semaphore(%arg8 : memref<!tpu.dma_semaphore, #tpu.memory_space<semaphore_mem>>)
    %dma_start3A_144 = arith.constant 3 : i32
    %dma_start3A_145 = arith.constant 16 : i32
    %dma_start3A_146 = arith.constant 0 : i32
    %dma_start3A_147 = tpu.memref_slice %arg6[%dma_start3A_145, %dma_start3A_146] : memref<64x1024xf32, #tpu.memory_space<vmem>> -> memref<16x1024xf32, #tpu.memory_space<vmem>>
    %dma_start3A_148 = arith.constant 0 : i32
    %dma_start3A_149 = tpu.memref_slice %arg4[%dma_start3A_144, %add3A_104, %dma_start3A_148] : memref<4x2048x1024xf32, #tpu.memory_space<hbm>> -> memref<1x16x1024xf32, #tpu.memory_space<hbm>>
    %dma_start3A_150 = tpu.memref_squeeze %dma_start3A_149 : memref<1x16x1024xf32, #tpu.memory_space<hbm>> -> memref<16x1024xf32, #tpu.memory_space<hbm>>
    %dma_start3A_151 = arith.constant 0 : i32
    %dma_start3A_152 = tpu.memref_slice %arg4[%dma_start3A_144, %add3A_104, %dma_start3A_151] : memref<4x2048x1024xf32, #tpu.memory_space<hbm>> -> memref<1x16x1024xf32, #tpu.memory_space<hbm>>
    %dma_start3A_153 = tpu.memref_squeeze %dma_start3A_152 : memref<1x16x1024xf32, #tpu.memory_space<hbm>> -> memref<16x1024xf32, #tpu.memory_space<hbm>>
    %dma_start3A_154 = arith.constant 16 : i32
    %dma_start3A_155 = arith.constant 0 : i32
    %dma_start3A_156 = tpu.memref_slice %arg6[%dma_start3A_154, %dma_start3A_155] : memref<64x1024xf32, #tpu.memory_space<vmem>> -> memref<16x1024xf32, #tpu.memory_space<vmem>>
    tpu.enqueue_dma source(%dma_start3A_156 : memref<16x1024xf32, #tpu.memory_space<vmem>>) target(%dma_start3A_153 : memref<16x1024xf32, #tpu.memory_space<hbm>>) target_semaphore(%arg8 : memref<!tpu.dma_semaphore, #tpu.memory_space<semaphore_mem>>)
    %dma_wait3A_157 = arith.constant 32 : i32
    %dma_wait3A_158 = arith.constant 0 : i32
    %dma_wait3A_159 = tpu.memref_slice %arg6[%dma_wait3A_157, %dma_wait3A_158] : memref<64x1024xf32, #tpu.memory_space<vmem>> -> memref<16x1024xf32, #tpu.memory_space<vmem>>
    %dma_wait3A_160 = arith.constant 32 : i32
    %dma_wait3A_161 = tpu.memref_slice %arg5[%dma_wait3A_160] : memref<64xi32, #tpu.memory_space<vmem>> -> memref<16xi32, #tpu.memory_space<vmem>>
    %dma_wait3A_162 = arith.constant 0 : i32
    %dma_wait3A_163 = arith.constant 0 : i32
    %dma_wait3A_164 = tpu.memref_slice %arg2[%dma_wait3A_162, %dma_wait3A_163] : memref<2048x1024xf32, #tpu.memory_space<hbm>> -> memref<2048x1024xf32, #tpu.memory_space<hbm>>
    tpu.wait_indirect_dma semaphore(%arg7 : memref<!tpu.dma_semaphore, #tpu.memory_space<semaphore_mem>>) src(%dma_wait3A_164 : memref<2048x1024xf32, #tpu.memory_space<hbm>>) dst(%dma_wait3A_159 : memref<16x1024xf32, #tpu.memory_space<vmem>>)
    %add3A_165 = arith.constant 32 : i32
    %add3A_166 = arith.addi %mul3A_2, %add3A_165 : i32
    %dma_start3A_167 = arith.constant 0 : i32
    %dma_start3A_168 = arith.constant 32 : i32
    %dma_start3A_169 = arith.constant 0 : i32
    %dma_start3A_170 = tpu.memref_slice %arg6[%dma_start3A_168, %dma_start3A_169] : memref<64x1024xf32, #tpu.memory_space<vmem>> -> memref<16x1024xf32, #tpu.memory_space<vmem>>
    %dma_start3A_171 = arith.constant 0 : i32
    %dma_start3A_172 = tpu.memref_slice %arg4[%dma_start3A_167, %add3A_166, %dma_start3A_171] : memref<4x2048x1024xf32, #tpu.memory_space<hbm>> -> memref<1x16x1024xf32, #tpu.memory_space<hbm>>
    %dma_start3A_173 = tpu.memref_squeeze %dma_start3A_172 : memref<1x16x1024xf32, #tpu.memory_space<hbm>> -> memref<16x1024xf32, #tpu.memory_space<hbm>>
    %dma_start3A_174 = arith.constant 0 : i32
    %dma_start3A_175 = tpu.memref_slice %arg4[%dma_start3A_167, %add3A_166, %dma_start3A_174] : memref<4x2048x1024xf32, #tpu.memory_space<hbm>> -> memref<1x16x1024xf32, #tpu.memory_space<hbm>>
    %dma_start3A_176 = tpu.memref_squeeze %dma_start3A_175 : memref<1x16x1024xf32, #tpu.memory_space<hbm>> -> memref<16x1024xf32, #tpu.memory_space<hbm>>
    %dma_start3A_177 = arith.constant 32 : i32
    %dma_start3A_178 = arith.constant 0 : i32
    %dma_start3A_179 = tpu.memref_slice %arg6[%dma_start3A_177, %dma_start3A_178] : memref<64x1024xf32, #tpu.memory_space<vmem>> -> memref<16x1024xf32, #tpu.memory_space<vmem>>
    tpu.enqueue_dma source(%dma_start3A_179 : memref<16x1024xf32, #tpu.memory_space<vmem>>) target(%dma_start3A_176 : memref<16x1024xf32, #tpu.memory_space<hbm>>) target_semaphore(%arg8 : memref<!tpu.dma_semaphore, #tpu.memory_space<semaphore_mem>>)
    %dma_start3A_180 = arith.constant 1 : i32
    %dma_start3A_181 = arith.constant 32 : i32
    %dma_start3A_182 = arith.constant 0 : i32
    %dma_start3A_183 = tpu.memref_slice %arg6[%dma_start3A_181, %dma_start3A_182] : memref<64x1024xf32, #tpu.memory_space<vmem>> -> memref<16x1024xf32, #tpu.memory_space<vmem>>
    %dma_start3A_184 = arith.constant 0 : i32
    %dma_start3A_185 = tpu.memref_slice %arg4[%dma_start3A_180, %add3A_166, %dma_start3A_184] : memref<4x2048x1024xf32, #tpu.memory_space<hbm>> -> memref<1x16x1024xf32, #tpu.memory_space<hbm>>
    %dma_start3A_186 = tpu.memref_squeeze %dma_start3A_185 : memref<1x16x1024xf32, #tpu.memory_space<hbm>> -> memref<16x1024xf32, #tpu.memory_space<hbm>>
    %dma_start3A_187 = arith.constant 0 : i32
    %dma_start3A_188 = tpu.memref_slice %arg4[%dma_start3A_180, %add3A_166, %dma_start3A_187] : memref<4x2048x1024xf32, #tpu.memory_space<hbm>> -> memref<1x16x1024xf32, #tpu.memory_space<hbm>>
    %dma_start3A_189 = tpu.memref_squeeze %dma_start3A_188 : memref<1x16x1024xf32, #tpu.memory_space<hbm>> -> memref<16x1024xf32, #tpu.memory_space<hbm>>
    %dma_start3A_190 = arith.constant 32 : i32
    %dma_start3A_191 = arith.constant 0 : i32
    %dma_start3A_192 = tpu.memref_slice %arg6[%dma_start3A_190, %dma_start3A_191] : memref<64x1024xf32, #tpu.memory_space<vmem>> -> memref<16x1024xf32, #tpu.memory_space<vmem>>
    tpu.enqueue_dma source(%dma_start3A_192 : memref<16x1024xf32, #tpu.memory_space<vmem>>) target(%dma_start3A_189 : memref<16x1024xf32, #tpu.memory_space<hbm>>) target_semaphore(%arg8 : memref<!tpu.dma_semaphore, #tpu.memory_space<semaphore_mem>>)
    %dma_start3A_193 = arith.constant 2 : i32
    %dma_start3A_194 = arith.constant 32 : i32
    %dma_start3A_195 = arith.constant 0 : i32
    %dma_start3A_196 = tpu.memref_slice %arg6[%dma_start3A_194, %dma_start3A_195] : memref<64x1024xf32, #tpu.memory_space<vmem>> -> memref<16x1024xf32, #tpu.memory_space<vmem>>
    %dma_start3A_197 = arith.constant 0 : i32
    %dma_start3A_198 = tpu.memref_slice %arg4[%dma_start3A_193, %add3A_166, %dma_start3A_197] : memref<4x2048x1024xf32, #tpu.memory_space<hbm>> -> memref<1x16x1024xf32, #tpu.memory_space<hbm>>
    %dma_start3A_199 = tpu.memref_squeeze %dma_start3A_198 : memref<1x16x1024xf32, #tpu.memory_space<hbm>> -> memref<16x1024xf32, #tpu.memory_space<hbm>>
    %dma_start3A_200 = arith.constant 0 : i32
    %dma_start3A_201 = tpu.memref_slice %arg4[%dma_start3A_193, %add3A_166, %dma_start3A_200] : memref<4x2048x1024xf32, #tpu.memory_space<hbm>> -> memref<1x16x1024xf32, #tpu.memory_space<hbm>>
    %dma_start3A_202 = tpu.memref_squeeze %dma_start3A_201 : memref<1x16x1024xf32, #tpu.memory_space<hbm>> -> memref<16x1024xf32, #tpu.memory_space<hbm>>
    %dma_start3A_203 = arith.constant 32 : i32
    %dma_start3A_204 = arith.constant 0 : i32
    %dma_start3A_205 = tpu.memref_slice %arg6[%dma_start3A_203, %dma_start3A_204] : memref<64x1024xf32, #tpu.memory_space<vmem>> -> memref<16x1024xf32, #tpu.memory_space<vmem>>
    tpu.enqueue_dma source(%dma_start3A_205 : memref<16x1024xf32, #tpu.memory_space<vmem>>) target(%dma_start3A_202 : memref<16x1024xf32, #tpu.memory_space<hbm>>) target_semaphore(%arg8 : memref<!tpu.dma_semaphore, #tpu.memory_space<semaphore_mem>>)
    %dma_start3A_206 = arith.constant 3 : i32
    %dma_start3A_207 = arith.constant 32 : i32
    %dma_start3A_208 = arith.constant 0 : i32
    %dma_start3A_209 = tpu.memref_slice %arg6[%dma_start3A_207, %dma_start3A_208] : memref<64x1024xf32, #tpu.memory_space<vmem>> -> memref<16x1024xf32, #tpu.memory_space<vmem>>
    %dma_start3A_210 = arith.constant 0 : i32
    %dma_start3A_211 = tpu.memref_slice %arg4[%dma_start3A_206, %add3A_166, %dma_start3A_210] : memref<4x2048x1024xf32, #tpu.memory_space<hbm>> -> memref<1x16x1024xf32, #tpu.memory_space<hbm>>
    %dma_start3A_212 = tpu.memref_squeeze %dma_start3A_211 : memref<1x16x1024xf32, #tpu.memory_space<hbm>> -> memref<16x1024xf32, #tpu.memory_space<hbm>>
    %dma_start3A_213 = arith.constant 0 : i32
    %dma_start3A_214 = tpu.memref_slice %arg4[%dma_start3A_206, %add3A_166, %dma_start3A_213] : memref<4x2048x1024xf32, #tpu.memory_space<hbm>> -> memref<1x16x1024xf32, #tpu.memory_space<hbm>>
    %dma_start3A_215 = tpu.memref_squeeze %dma_start3A_214 : memref<1x16x1024xf32, #tpu.memory_space<hbm>> -> memref<16x1024xf32, #tpu.memory_space<hbm>>
    %dma_start3A_216 = arith.constant 32 : i32
    %dma_start3A_217 = arith.constant 0 : i32
    %dma_start3A_218 = tpu.memref_slice %arg6[%dma_start3A_216, %dma_start3A_217] : memref<64x1024xf32, #tpu.memory_space<vmem>> -> memref<16x1024xf32, #tpu.memory_space<vmem>>
    tpu.enqueue_dma source(%dma_start3A_218 : memref<16x1024xf32, #tpu.memory_space<vmem>>) target(%dma_start3A_215 : memref<16x1024xf32, #tpu.memory_space<hbm>>) target_semaphore(%arg8 : memref<!tpu.dma_semaphore, #tpu.memory_space<semaphore_mem>>)
    %dma_wait3A_219 = arith.constant 48 : i32
    %dma_wait3A_220 = arith.constant 0 : i32
    %dma_wait3A_221 = tpu.memref_slice %arg6[%dma_wait3A_219, %dma_wait3A_220] : memref<64x1024xf32, #tpu.memory_space<vmem>> -> memref<16x1024xf32, #tpu.memory_space<vmem>>
    %dma_wait3A_222 = arith.constant 48 : i32
    %dma_wait3A_223 = tpu.memref_slice %arg5[%dma_wait3A_222] : memref<64xi32, #tpu.memory_space<vmem>> -> memref<16xi32, #tpu.memory_space<vmem>>
    %dma_wait3A_224 = arith.constant 0 : i32
    %dma_wait3A_225 = arith.constant 0 : i32
    %dma_wait3A_226 = tpu.memref_slice %arg2[%dma_wait3A_224, %dma_wait3A_225] : memref<2048x1024xf32, #tpu.memory_space<hbm>> -> memref<2048x1024xf32, #tpu.memory_space<hbm>>
    tpu.wait_indirect_dma semaphore(%arg7 : memref<!tpu.dma_semaphore, #tpu.memory_space<semaphore_mem>>) src(%dma_wait3A_226 : memref<2048x1024xf32, #tpu.memory_space<hbm>>) dst(%dma_wait3A_221 : memref<16x1024xf32, #tpu.memory_space<vmem>>)
    %add3A_227 = arith.constant 48 : i32
    %add3A_228 = arith.addi %mul3A_2, %add3A_227 : i32
    %dma_start3A_229 = arith.constant 0 : i32
    %dma_start3A_230 = arith.constant 48 : i32
    %dma_start3A_231 = arith.constant 0 : i32
    %dma_start3A_232 = tpu.memref_slice %arg6[%dma_start3A_230, %dma_start3A_231] : memref<64x1024xf32, #tpu.memory_space<vmem>> -> memref<16x1024xf32, #tpu.memory_space<vmem>>
    %dma_start3A_233 = arith.constant 0 : i32
    %dma_start3A_234 = tpu.memref_slice %arg4[%dma_start3A_229, %add3A_228, %dma_start3A_233] : memref<4x2048x1024xf32, #tpu.memory_space<hbm>> -> memref<1x16x1024xf32, #tpu.memory_space<hbm>>
    %dma_start3A_235 = tpu.memref_squeeze %dma_start3A_234 : memref<1x16x1024xf32, #tpu.memory_space<hbm>> -> memref<16x1024xf32, #tpu.memory_space<hbm>>
    %dma_start3A_236 = arith.constant 0 : i32
    %dma_start3A_237 = tpu.memref_slice %arg4[%dma_start3A_229, %add3A_228, %dma_start3A_236] : memref<4x2048x1024xf32, #tpu.memory_space<hbm>> -> memref<1x16x1024xf32, #tpu.memory_space<hbm>>
    %dma_start3A_238 = tpu.memref_squeeze %dma_start3A_237 : memref<1x16x1024xf32, #tpu.memory_space<hbm>> -> memref<16x1024xf32, #tpu.memory_space<hbm>>
    %dma_start3A_239 = arith.constant 48 : i32
    %dma_start3A_240 = arith.constant 0 : i32
    %dma_start3A_241 = tpu.memref_slice %arg6[%dma_start3A_239, %dma_start3A_240] : memref<64x1024xf32, #tpu.memory_space<vmem>> -> memref<16x1024xf32, #tpu.memory_space<vmem>>
    tpu.enqueue_dma source(%dma_start3A_241 : memref<16x1024xf32, #tpu.memory_space<vmem>>) target(%dma_start3A_238 : memref<16x1024xf32, #tpu.memory_space<hbm>>) target_semaphore(%arg8 : memref<!tpu.dma_semaphore, #tpu.memory_space<semaphore_mem>>)
    %dma_start3A_242 = arith.constant 1 : i32
    %dma_start3A_243 = arith.constant 48 : i32
    %dma_start3A_244 = arith.constant 0 : i32
    %dma_start3A_245 = tpu.memref_slice %arg6[%dma_start3A_243, %dma_start3A_244] : memref<64x1024xf32, #tpu.memory_space<vmem>> -> memref<16x1024xf32, #tpu.memory_space<vmem>>
    %dma_start3A_246 = arith.constant 0 : i32
    %dma_start3A_247 = tpu.memref_slice %arg4[%dma_start3A_242, %add3A_228, %dma_start3A_246] : memref<4x2048x1024xf32, #tpu.memory_space<hbm>> -> memref<1x16x1024xf32, #tpu.memory_space<hbm>>
    %dma_start3A_248 = tpu.memref_squeeze %dma_start3A_247 : memref<1x16x1024xf32, #tpu.memory_space<hbm>> -> memref<16x1024xf32, #tpu.memory_space<hbm>>
    %dma_start3A_249 = arith.constant 0 : i32
    %dma_start3A_250 = tpu.memref_slice %arg4[%dma_start3A_242, %add3A_228, %dma_start3A_249] : memref<4x2048x1024xf32, #tpu.memory_space<hbm>> -> memref<1x16x1024xf32, #tpu.memory_space<hbm>>
    %dma_start3A_251 = tpu.memref_squeeze %dma_start3A_250 : memref<1x16x1024xf32, #tpu.memory_space<hbm>> -> memref<16x1024xf32, #tpu.memory_space<hbm>>
    %dma_start3A_252 = arith.constant 48 : i32
    %dma_start3A_253 = arith.constant 0 : i32
    %dma_start3A_254 = tpu.memref_slice %arg6[%dma_start3A_252, %dma_start3A_253] : memref<64x1024xf32, #tpu.memory_space<vmem>> -> memref<16x1024xf32, #tpu.memory_space<vmem>>
    tpu.enqueue_dma source(%dma_start3A_254 : memref<16x1024xf32, #tpu.memory_space<vmem>>) target(%dma_start3A_251 : memref<16x1024xf32, #tpu.memory_space<hbm>>) target_semaphore(%arg8 : memref<!tpu.dma_semaphore, #tpu.memory_space<semaphore_mem>>)
    %dma_start3A_255 = arith.constant 2 : i32
    %dma_start3A_256 = arith.constant 48 : i32
    %dma_start3A_257 = arith.constant 0 : i32
    %dma_start3A_258 = tpu.memref_slice %arg6[%dma_start3A_256, %dma_start3A_257] : memref<64x1024xf32, #tpu.memory_space<vmem>> -> memref<16x1024xf32, #tpu.memory_space<vmem>>
    %dma_start3A_259 = arith.constant 0 : i32
    %dma_start3A_260 = tpu.memref_slice %arg4[%dma_start3A_255, %add3A_228, %dma_start3A_259] : memref<4x2048x1024xf32, #tpu.memory_space<hbm>> -> memref<1x16x1024xf32, #tpu.memory_space<hbm>>
    %dma_start3A_261 = tpu.memref_squeeze %dma_start3A_260 : memref<1x16x1024xf32, #tpu.memory_space<hbm>> -> memref<16x1024xf32, #tpu.memory_space<hbm>>
    %dma_start3A_262 = arith.constant 0 : i32
    %dma_start3A_263 = tpu.memref_slice %arg4[%dma_start3A_255, %add3A_228, %dma_start3A_262] : memref<4x2048x1024xf32, #tpu.memory_space<hbm>> -> memref<1x16x1024xf32, #tpu.memory_space<hbm>>
    %dma_start3A_264 = tpu.memref_squeeze %dma_start3A_263 : memref<1x16x1024xf32, #tpu.memory_space<hbm>> -> memref<16x1024xf32, #tpu.memory_space<hbm>>
    %dma_start3A_265 = arith.constant 48 : i32
    %dma_start3A_266 = arith.constant 0 : i32
    %dma_start3A_267 = tpu.memref_slice %arg6[%dma_start3A_265, %dma_start3A_266] : memref<64x1024xf32, #tpu.memory_space<vmem>> -> memref<16x1024xf32, #tpu.memory_space<vmem>>
    tpu.enqueue_dma source(%dma_start3A_267 : memref<16x1024xf32, #tpu.memory_space<vmem>>) target(%dma_start3A_264 : memref<16x1024xf32, #tpu.memory_space<hbm>>) target_semaphore(%arg8 : memref<!tpu.dma_semaphore, #tpu.memory_space<semaphore_mem>>)
    %dma_start3A_268 = arith.constant 3 : i32
    %dma_start3A_269 = arith.constant 48 : i32
    %dma_start3A_270 = arith.constant 0 : i32
    %dma_start3A_271 = tpu.memref_slice %arg6[%dma_start3A_269, %dma_start3A_270] : memref<64x1024xf32, #tpu.memory_space<vmem>> -> memref<16x1024xf32, #tpu.memory_space<vmem>>
    %dma_start3A_272 = arith.constant 0 : i32
    %dma_start3A_273 = tpu.memref_slice %arg4[%dma_start3A_268, %add3A_228, %dma_start3A_272] : memref<4x2048x1024xf32, #tpu.memory_space<hbm>> -> memref<1x16x1024xf32, #tpu.memory_space<hbm>>
    %dma_start3A_274 = tpu.memref_squeeze %dma_start3A_273 : memref<1x16x1024xf32, #tpu.memory_space<hbm>> -> memref<16x1024xf32, #tpu.memory_space<hbm>>
    %dma_start3A_275 = arith.constant 0 : i32
    %dma_start3A_276 = tpu.memref_slice %arg4[%dma_start3A_268, %add3A_228, %dma_start3A_275] : memref<4x2048x1024xf32, #tpu.memory_space<hbm>> -> memref<1x16x1024xf32, #tpu.memory_space<hbm>>
    %dma_start3A_277 = tpu.memref_squeeze %dma_start3A_276 : memref<1x16x1024xf32, #tpu.memory_space<hbm>> -> memref<16x1024xf32, #tpu.memory_space<hbm>>
    %dma_start3A_278 = arith.constant 48 : i32
    %dma_start3A_279 = arith.constant 0 : i32
    %dma_start3A_280 = tpu.memref_slice %arg6[%dma_start3A_278, %dma_start3A_279] : memref<64x1024xf32, #tpu.memory_space<vmem>> -> memref<16x1024xf32, #tpu.memory_space<vmem>>
    tpu.enqueue_dma source(%dma_start3A_280 : memref<16x1024xf32, #tpu.memory_space<vmem>>) target(%dma_start3A_277 : memref<16x1024xf32, #tpu.memory_space<hbm>>) target_semaphore(%arg8 : memref<!tpu.dma_semaphore, #tpu.memory_space<semaphore_mem>>)
    %dma_wait3A_281 = arith.constant 0 : i32
    %dma_wait3A_282 = arith.constant 0 : i32
    %dma_wait3A_283 = arith.constant 0 : i32
    %dma_wait3A_284 = tpu.memref_slice %arg6[%dma_wait3A_282, %dma_wait3A_283] : memref<64x1024xf32, #tpu.memory_space<vmem>> -> memref<16x1024xf32, #tpu.memory_space<vmem>>
    %dma_wait3A_285 = arith.constant 0 : i32
    %dma_wait3A_286 = tpu.memref_slice %arg4[%dma_wait3A_281, %add3A_42, %dma_wait3A_285] : memref<4x2048x1024xf32, #tpu.memory_space<hbm>> -> memref<1x16x1024xf32, #tpu.memory_space<hbm>>
    %dma_wait3A_287 = tpu.memref_squeeze %dma_wait3A_286 : memref<1x16x1024xf32, #tpu.memory_space<hbm>> -> memref<16x1024xf32, #tpu.memory_space<hbm>>
    %dma_wait3A_288 = arith.constant 0 : i32
    %dma_wait3A_289 = tpu.memref_slice %arg4[%dma_wait3A_281, %add3A_42, %dma_wait3A_288] : memref<4x2048x1024xf32, #tpu.memory_space<hbm>> -> memref<1x16x1024xf32, #tpu.memory_space<hbm>>
    %dma_wait3A_290 = tpu.memref_squeeze %dma_wait3A_289 : memref<1x16x1024xf32, #tpu.memory_space<hbm>> -> memref<16x1024xf32, #tpu.memory_space<hbm>>
    %dma_wait3A_291 = arith.constant 0 : i32
    %dma_wait3A_292 = arith.constant 0 : i32
    %dma_wait3A_293 = tpu.memref_slice %arg6[%dma_wait3A_291, %dma_wait3A_292] : memref<64x1024xf32, #tpu.memory_space<vmem>> -> memref<16x1024xf32, #tpu.memory_space<vmem>>
    tpu.wait_dma2 semaphore(%arg8 : memref<!tpu.dma_semaphore, #tpu.memory_space<semaphore_mem>>) src(%dma_wait3A_293 : memref<16x1024xf32, #tpu.memory_space<vmem>>) dst(%dma_wait3A_290 : memref<16x1024xf32, #tpu.memory_space<hbm>>)
    %dma_wait3A_294 = arith.constant 1 : i32
    %dma_wait3A_295 = arith.constant 0 : i32
    %dma_wait3A_296 = arith.constant 0 : i32
    %dma_wait3A_297 = tpu.memref_slice %arg6[%dma_wait3A_295, %dma_wait3A_296] : memref<64x1024xf32, #tpu.memory_space<vmem>> -> memref<16x1024xf32, #tpu.memory_space<vmem>>
    %dma_wait3A_298 = arith.constant 0 : i32
    %dma_wait3A_299 = tpu.memref_slice %arg4[%dma_wait3A_294, %add3A_42, %dma_wait3A_298] : memref<4x2048x1024xf32, #tpu.memory_space<hbm>> -> memref<1x16x1024xf32, #tpu.memory_space<hbm>>
    %dma_wait3A_300 = tpu.memref_squeeze %dma_wait3A_299 : memref<1x16x1024xf32, #tpu.memory_space<hbm>> -> memref<16x1024xf32, #tpu.memory_space<hbm>>
    %dma_wait3A_301 = arith.constant 0 : i32
    %dma_wait3A_302 = tpu.memref_slice %arg4[%dma_wait3A_294, %add3A_42, %dma_wait3A_301] : memref<4x2048x1024xf32, #tpu.memory_space<hbm>> -> memref<1x16x1024xf32, #tpu.memory_space<hbm>>
    %dma_wait3A_303 = tpu.memref_squeeze %dma_wait3A_302 : memref<1x16x1024xf32, #tpu.memory_space<hbm>> -> memref<16x1024xf32, #tpu.memory_space<hbm>>
    %dma_wait3A_304 = arith.constant 0 : i32
    %dma_wait3A_305 = arith.constant 0 : i32
    %dma_wait3A_306 = tpu.memref_slice %arg6[%dma_wait3A_304, %dma_wait3A_305] : memref<64x1024xf32, #tpu.memory_space<vmem>> -> memref<16x1024xf32, #tpu.memory_space<vmem>>
    tpu.wait_dma2 semaphore(%arg8 : memref<!tpu.dma_semaphore, #tpu.memory_space<semaphore_mem>>) src(%dma_wait3A_306 : memref<16x1024xf32, #tpu.memory_space<vmem>>) dst(%dma_wait3A_303 : memref<16x1024xf32, #tpu.memory_space<hbm>>)
    %dma_wait3A_307 = arith.constant 2 : i32
    %dma_wait3A_308 = arith.constant 0 : i32
    %dma_wait3A_309 = arith.constant 0 : i32
    %dma_wait3A_310 = tpu.memref_slice %arg6[%dma_wait3A_308, %dma_wait3A_309] : memref<64x1024xf32, #tpu.memory_space<vmem>> -> memref<16x1024xf32, #tpu.memory_space<vmem>>
    %dma_wait3A_311 = arith.constant 0 : i32
    %dma_wait3A_312 = tpu.memref_slice %arg4[%dma_wait3A_307, %add3A_42, %dma_wait3A_311] : memref<4x2048x1024xf32, #tpu.memory_space<hbm>> -> memref<1x16x1024xf32, #tpu.memory_space<hbm>>
    %dma_wait3A_313 = tpu.memref_squeeze %dma_wait3A_312 : memref<1x16x1024xf32, #tpu.memory_space<hbm>> -> memref<16x1024xf32, #tpu.memory_space<hbm>>
    %dma_wait3A_314 = arith.constant 0 : i32
    %dma_wait3A_315 = tpu.memref_slice %arg4[%dma_wait3A_307, %add3A_42, %dma_wait3A_314] : memref<4x2048x1024xf32, #tpu.memory_space<hbm>> -> memref<1x16x1024xf32, #tpu.memory_space<hbm>>
    %dma_wait3A_316 = tpu.memref_squeeze %dma_wait3A_315 : memref<1x16x1024xf32, #tpu.memory_space<hbm>> -> memref<16x1024xf32, #tpu.memory_space<hbm>>
    %dma_wait3A_317 = arith.constant 0 : i32
    %dma_wait3A_318 = arith.constant 0 : i32
    %dma_wait3A_319 = tpu.memref_slice %arg6[%dma_wait3A_317, %dma_wait3A_318] : memref<64x1024xf32, #tpu.memory_space<vmem>> -> memref<16x1024xf32, #tpu.memory_space<vmem>>
    tpu.wait_dma2 semaphore(%arg8 : memref<!tpu.dma_semaphore, #tpu.memory_space<semaphore_mem>>) src(%dma_wait3A_319 : memref<16x1024xf32, #tpu.memory_space<vmem>>) dst(%dma_wait3A_316 : memref<16x1024xf32, #tpu.memory_space<hbm>>)
    %dma_wait3A_320 = arith.constant 3 : i32
    %dma_wait3A_321 = arith.constant 0 : i32
    %dma_wait3A_322 = arith.constant 0 : i32
    %dma_wait3A_323 = tpu.memref_slice %arg6[%dma_wait3A_321, %dma_wait3A_322] : memref<64x1024xf32, #tpu.memory_space<vmem>> -> memref<16x1024xf32, #tpu.memory_space<vmem>>
    %dma_wait3A_324 = arith.constant 0 : i32
    %dma_wait3A_325 = tpu.memref_slice %arg4[%dma_wait3A_320, %add3A_42, %dma_wait3A_324] : memref<4x2048x1024xf32, #tpu.memory_space<hbm>> -> memref<1x16x1024xf32, #tpu.memory_space<hbm>>
    %dma_wait3A_326 = tpu.memref_squeeze %dma_wait3A_325 : memref<1x16x1024xf32, #tpu.memory_space<hbm>> -> memref<16x1024xf32, #tpu.memory_space<hbm>>
    %dma_wait3A_327 = arith.constant 0 : i32
    %dma_wait3A_328 = tpu.memref_slice %arg4[%dma_wait3A_320, %add3A_42, %dma_wait3A_327] : memref<4x2048x1024xf32, #tpu.memory_space<hbm>> -> memref<1x16x1024xf32, #tpu.memory_space<hbm>>
    %dma_wait3A_329 = tpu.memref_squeeze %dma_wait3A_328 : memref<1x16x1024xf32, #tpu.memory_space<hbm>> -> memref<16x1024xf32, #tpu.memory_space<hbm>>
    %dma_wait3A_330 = arith.constant 0 : i32
    %dma_wait3A_331 = arith.constant 0 : i32
    %dma_wait3A_332 = tpu.memref_slice %arg6[%dma_wait3A_330, %dma_wait3A_331] : memref<64x1024xf32, #tpu.memory_space<vmem>> -> memref<16x1024xf32, #tpu.memory_space<vmem>>
    tpu.wait_dma2 semaphore(%arg8 : memref<!tpu.dma_semaphore, #tpu.memory_space<semaphore_mem>>) src(%dma_wait3A_332 : memref<16x1024xf32, #tpu.memory_space<vmem>>) dst(%dma_wait3A_329 : memref<16x1024xf32, #tpu.memory_space<hbm>>)
    %dma_wait3A_333 = arith.constant 0 : i32
    %dma_wait3A_334 = arith.constant 16 : i32
    %dma_wait3A_335 = arith.constant 0 : i32
    %dma_wait3A_336 = tpu.memref_slice %arg6[%dma_wait3A_334, %dma_wait3A_335] : memref<64x1024xf32, #tpu.memory_space<vmem>> -> memref<16x1024xf32, #tpu.memory_space<vmem>>
    %dma_wait3A_337 = arith.constant 0 : i32
    %dma_wait3A_338 = tpu.memref_slice %arg4[%dma_wait3A_333, %add3A_104, %dma_wait3A_337] : memref<4x2048x1024xf32, #tpu.memory_space<hbm>> -> memref<1x16x1024xf32, #tpu.memory_space<hbm>>
    %dma_wait3A_339 = tpu.memref_squeeze %dma_wait3A_338 : memref<1x16x1024xf32, #tpu.memory_space<hbm>> -> memref<16x1024xf32, #tpu.memory_space<hbm>>
    %dma_wait3A_340 = arith.constant 0 : i32
    %dma_wait3A_341 = tpu.memref_slice %arg4[%dma_wait3A_333, %add3A_104, %dma_wait3A_340] : memref<4x2048x1024xf32, #tpu.memory_space<hbm>> -> memref<1x16x1024xf32, #tpu.memory_space<hbm>>
    %dma_wait3A_342 = tpu.memref_squeeze %dma_wait3A_341 : memref<1x16x1024xf32, #tpu.memory_space<hbm>> -> memref<16x1024xf32, #tpu.memory_space<hbm>>
    %dma_wait3A_343 = arith.constant 16 : i32
    %dma_wait3A_344 = arith.constant 0 : i32
    %dma_wait3A_345 = tpu.memref_slice %arg6[%dma_wait3A_343, %dma_wait3A_344] : memref<64x1024xf32, #tpu.memory_space<vmem>> -> memref<16x1024xf32, #tpu.memory_space<vmem>>
    tpu.wait_dma2 semaphore(%arg8 : memref<!tpu.dma_semaphore, #tpu.memory_space<semaphore_mem>>) src(%dma_wait3A_345 : memref<16x1024xf32, #tpu.memory_space<vmem>>) dst(%dma_wait3A_342 : memref<16x1024xf32, #tpu.memory_space<hbm>>)
    %dma_wait3A_346 = arith.constant 1 : i32
    %dma_wait3A_347 = arith.constant 16 : i32
    %dma_wait3A_348 = arith.constant 0 : i32
    %dma_wait3A_349 = tpu.memref_slice %arg6[%dma_wait3A_347, %dma_wait3A_348] : memref<64x1024xf32, #tpu.memory_space<vmem>> -> memref<16x1024xf32, #tpu.memory_space<vmem>>
    %dma_wait3A_350 = arith.constant 0 : i32
    %dma_wait3A_351 = tpu.memref_slice %arg4[%dma_wait3A_346, %add3A_104, %dma_wait3A_350] : memref<4x2048x1024xf32, #tpu.memory_space<hbm>> -> memref<1x16x1024xf32, #tpu.memory_space<hbm>>
    %dma_wait3A_352 = tpu.memref_squeeze %dma_wait3A_351 : memref<1x16x1024xf32, #tpu.memory_space<hbm>> -> memref<16x1024xf32, #tpu.memory_space<hbm>>
    %dma_wait3A_353 = arith.constant 0 : i32
    %dma_wait3A_354 = tpu.memref_slice %arg4[%dma_wait3A_346, %add3A_104, %dma_wait3A_353] : memref<4x2048x1024xf32, #tpu.memory_space<hbm>> -> memref<1x16x1024xf32, #tpu.memory_space<hbm>>
    %dma_wait3A_355 = tpu.memref_squeeze %dma_wait3A_354 : memref<1x16x1024xf32, #tpu.memory_space<hbm>> -> memref<16x1024xf32, #tpu.memory_space<hbm>>
    %dma_wait3A_356 = arith.constant 16 : i32
    %dma_wait3A_357 = arith.constant 0 : i32
    %dma_wait3A_358 = tpu.memref_slice %arg6[%dma_wait3A_356, %dma_wait3A_357] : memref<64x1024xf32, #tpu.memory_space<vmem>> -> memref<16x1024xf32, #tpu.memory_space<vmem>>
    tpu.wait_dma2 semaphore(%arg8 : memref<!tpu.dma_semaphore, #tpu.memory_space<semaphore_mem>>) src(%dma_wait3A_358 : memref<16x1024xf32, #tpu.memory_space<vmem>>) dst(%dma_wait3A_355 : memref<16x1024xf32, #tpu.memory_space<hbm>>)
    %dma_wait3A_359 = arith.constant 2 : i32
    %dma_wait3A_360 = arith.constant 16 : i32
    %dma_wait3A_361 = arith.constant 0 : i32
    %dma_wait3A_362 = tpu.memref_slice %arg6[%dma_wait3A_360, %dma_wait3A_361] : memref<64x1024xf32, #tpu.memory_space<vmem>> -> memref<16x1024xf32, #tpu.memory_space<vmem>>
    %dma_wait3A_363 = arith.constant 0 : i32
    %dma_wait3A_364 = tpu.memref_slice %arg4[%dma_wait3A_359, %add3A_104, %dma_wait3A_363] : memref<4x2048x1024xf32, #tpu.memory_space<hbm>> -> memref<1x16x1024xf32, #tpu.memory_space<hbm>>
    %dma_wait3A_365 = tpu.memref_squeeze %dma_wait3A_364 : memref<1x16x1024xf32, #tpu.memory_space<hbm>> -> memref<16x1024xf32, #tpu.memory_space<hbm>>
    %dma_wait3A_366 = arith.constant 0 : i32
    %dma_wait3A_367 = tpu.memref_slice %arg4[%dma_wait3A_359, %add3A_104, %dma_wait3A_366] : memref<4x2048x1024xf32, #tpu.memory_space<hbm>> -> memref<1x16x1024xf32, #tpu.memory_space<hbm>>
    %dma_wait3A_368 = tpu.memref_squeeze %dma_wait3A_367 : memref<1x16x1024xf32, #tpu.memory_space<hbm>> -> memref<16x1024xf32, #tpu.memory_space<hbm>>
    %dma_wait3A_369 = arith.constant 16 : i32
    %dma_wait3A_370 = arith.constant 0 : i32
    %dma_wait3A_371 = tpu.memref_slice %arg6[%dma_wait3A_369, %dma_wait3A_370] : memref<64x1024xf32, #tpu.memory_space<vmem>> -> memref<16x1024xf32, #tpu.memory_space<vmem>>
    tpu.wait_dma2 semaphore(%arg8 : memref<!tpu.dma_semaphore, #tpu.memory_space<semaphore_mem>>) src(%dma_wait3A_371 : memref<16x1024xf32, #tpu.memory_space<vmem>>) dst(%dma_wait3A_368 : memref<16x1024xf32, #tpu.memory_space<hbm>>)
    %dma_wait3A_372 = arith.constant 3 : i32
    %dma_wait3A_373 = arith.constant 16 : i32
    %dma_wait3A_374 = arith.constant 0 : i32
    %dma_wait3A_375 = tpu.memref_slice %arg6[%dma_wait3A_373, %dma_wait3A_374] : memref<64x1024xf32, #tpu.memory_space<vmem>> -> memref<16x1024xf32, #tpu.memory_space<vmem>>
    %dma_wait3A_376 = arith.constant 0 : i32
    %dma_wait3A_377 = tpu.memref_slice %arg4[%dma_wait3A_372, %add3A_104, %dma_wait3A_376] : memref<4x2048x1024xf32, #tpu.memory_space<hbm>> -> memref<1x16x1024xf32, #tpu.memory_space<hbm>>
    %dma_wait3A_378 = tpu.memref_squeeze %dma_wait3A_377 : memref<1x16x1024xf32, #tpu.memory_space<hbm>> -> memref<16x1024xf32, #tpu.memory_space<hbm>>
    %dma_wait3A_379 = arith.constant 0 : i32
    %dma_wait3A_380 = tpu.memref_slice %arg4[%dma_wait3A_372, %add3A_104, %dma_wait3A_379] : memref<4x2048x1024xf32, #tpu.memory_space<hbm>> -> memref<1x16x1024xf32, #tpu.memory_space<hbm>>
    %dma_wait3A_381 = tpu.memref_squeeze %dma_wait3A_380 : memref<1x16x1024xf32, #tpu.memory_space<hbm>> -> memref<16x1024xf32, #tpu.memory_space<hbm>>
    %dma_wait3A_382 = arith.constant 16 : i32
    %dma_wait3A_383 = arith.constant 0 : i32
    %dma_wait3A_384 = tpu.memref_slice %arg6[%dma_wait3A_382, %dma_wait3A_383] : memref<64x1024xf32, #tpu.memory_space<vmem>> -> memref<16x1024xf32, #tpu.memory_space<vmem>>
    tpu.wait_dma2 semaphore(%arg8 : memref<!tpu.dma_semaphore, #tpu.memory_space<semaphore_mem>>) src(%dma_wait3A_384 : memref<16x1024xf32, #tpu.memory_space<vmem>>) dst(%dma_wait3A_381 : memref<16x1024xf32, #tpu.memory_space<hbm>>)
    %dma_wait3A_385 = arith.constant 0 : i32
    %dma_wait3A_386 = arith.constant 32 : i32
    %dma_wait3A_387 = arith.constant 0 : i32
    %dma_wait3A_388 = tpu.memref_slice %arg6[%dma_wait3A_386, %dma_wait3A_387] : memref<64x1024xf32, #tpu.memory_space<vmem>> -> memref<16x1024xf32, #tpu.memory_space<vmem>>
    %dma_wait3A_389 = arith.constant 0 : i32
    %dma_wait3A_390 = tpu.memref_slice %arg4[%dma_wait3A_385, %add3A_166, %dma_wait3A_389] : memref<4x2048x1024xf32, #tpu.memory_space<hbm>> -> memref<1x16x1024xf32, #tpu.memory_space<hbm>>
    %dma_wait3A_391 = tpu.memref_squeeze %dma_wait3A_390 : memref<1x16x1024xf32, #tpu.memory_space<hbm>> -> memref<16x1024xf32, #tpu.memory_space<hbm>>
    %dma_wait3A_392 = arith.constant 0 : i32
    %dma_wait3A_393 = tpu.memref_slice %arg4[%dma_wait3A_385, %add3A_166, %dma_wait3A_392] : memref<4x2048x1024xf32, #tpu.memory_space<hbm>> -> memref<1x16x1024xf32, #tpu.memory_space<hbm>>
    %dma_wait3A_394 = tpu.memref_squeeze %dma_wait3A_393 : memref<1x16x1024xf32, #tpu.memory_space<hbm>> -> memref<16x1024xf32, #tpu.memory_space<hbm>>
    %dma_wait3A_395 = arith.constant 32 : i32
    %dma_wait3A_396 = arith.constant 0 : i32
    %dma_wait3A_397 = tpu.memref_slice %arg6[%dma_wait3A_395, %dma_wait3A_396] : memref<64x1024xf32, #tpu.memory_space<vmem>> -> memref<16x1024xf32, #tpu.memory_space<vmem>>
    tpu.wait_dma2 semaphore(%arg8 : memref<!tpu.dma_semaphore, #tpu.memory_space<semaphore_mem>>) src(%dma_wait3A_397 : memref<16x1024xf32, #tpu.memory_space<vmem>>) dst(%dma_wait3A_394 : memref<16x1024xf32, #tpu.memory_space<hbm>>)
    %dma_wait3A_398 = arith.constant 1 : i32
    %dma_wait3A_399 = arith.constant 32 : i32
    %dma_wait3A_400 = arith.constant 0 : i32
    %dma_wait3A_401 = tpu.memref_slice %arg6[%dma_wait3A_399, %dma_wait3A_400] : memref<64x1024xf32, #tpu.memory_space<vmem>> -> memref<16x1024xf32, #tpu.memory_space<vmem>>
    %dma_wait3A_402 = arith.constant 0 : i32
    %dma_wait3A_403 = tpu.memref_slice %arg4[%dma_wait3A_398, %add3A_166, %dma_wait3A_402] : memref<4x2048x1024xf32, #tpu.memory_space<hbm>> -> memref<1x16x1024xf32, #tpu.memory_space<hbm>>
    %dma_wait3A_404 = tpu.memref_squeeze %dma_wait3A_403 : memref<1x16x1024xf32, #tpu.memory_space<hbm>> -> memref<16x1024xf32, #tpu.memory_space<hbm>>
    %dma_wait3A_405 = arith.constant 0 : i32
    %dma_wait3A_406 = tpu.memref_slice %arg4[%dma_wait3A_398, %add3A_166, %dma_wait3A_405] : memref<4x2048x1024xf32, #tpu.memory_space<hbm>> -> memref<1x16x1024xf32, #tpu.memory_space<hbm>>
    %dma_wait3A_407 = tpu.memref_squeeze %dma_wait3A_406 : memref<1x16x1024xf32, #tpu.memory_space<hbm>> -> memref<16x1024xf32, #tpu.memory_space<hbm>>
    %dma_wait3A_408 = arith.constant 32 : i32
    %dma_wait3A_409 = arith.constant 0 : i32
    %dma_wait3A_410 = tpu.memref_slice %arg6[%dma_wait3A_408, %dma_wait3A_409] : memref<64x1024xf32, #tpu.memory_space<vmem>> -> memref<16x1024xf32, #tpu.memory_space<vmem>>
    tpu.wait_dma2 semaphore(%arg8 : memref<!tpu.dma_semaphore, #tpu.memory_space<semaphore_mem>>) src(%dma_wait3A_410 : memref<16x1024xf32, #tpu.memory_space<vmem>>) dst(%dma_wait3A_407 : memref<16x1024xf32, #tpu.memory_space<hbm>>)
    %dma_wait3A_411 = arith.constant 2 : i32
    %dma_wait3A_412 = arith.constant 32 : i32
    %dma_wait3A_413 = arith.constant 0 : i32
    %dma_wait3A_414 = tpu.memref_slice %arg6[%dma_wait3A_412, %dma_wait3A_413] : memref<64x1024xf32, #tpu.memory_space<vmem>> -> memref<16x1024xf32, #tpu.memory_space<vmem>>
    %dma_wait3A_415 = arith.constant 0 : i32
    %dma_wait3A_416 = tpu.memref_slice %arg4[%dma_wait3A_411, %add3A_166, %dma_wait3A_415] : memref<4x2048x1024xf32, #tpu.memory_space<hbm>> -> memref<1x16x1024xf32, #tpu.memory_space<hbm>>
    %dma_wait3A_417 = tpu.memref_squeeze %dma_wait3A_416 : memref<1x16x1024xf32, #tpu.memory_space<hbm>> -> memref<16x1024xf32, #tpu.memory_space<hbm>>
    %dma_wait3A_418 = arith.constant 0 : i32
    %dma_wait3A_419 = tpu.memref_slice %arg4[%dma_wait3A_411, %add3A_166, %dma_wait3A_418] : memref<4x2048x1024xf32, #tpu.memory_space<hbm>> -> memref<1x16x1024xf32, #tpu.memory_space<hbm>>
    %dma_wait3A_420 = tpu.memref_squeeze %dma_wait3A_419 : memref<1x16x1024xf32, #tpu.memory_space<hbm>> -> memref<16x1024xf32, #tpu.memory_space<hbm>>
    %dma_wait3A_421 = arith.constant 32 : i32
    %dma_wait3A_422 = arith.constant 0 : i32
    %dma_wait3A_423 = tpu.memref_slice %arg6[%dma_wait3A_421, %dma_wait3A_422] : memref<64x1024xf32, #tpu.memory_space<vmem>> -> memref<16x1024xf32, #tpu.memory_space<vmem>>
    tpu.wait_dma2 semaphore(%arg8 : memref<!tpu.dma_semaphore, #tpu.memory_space<semaphore_mem>>) src(%dma_wait3A_423 : memref<16x1024xf32, #tpu.memory_space<vmem>>) dst(%dma_wait3A_420 : memref<16x1024xf32, #tpu.memory_space<hbm>>)
    %dma_wait3A_424 = arith.constant 3 : i32
    %dma_wait3A_425 = arith.constant 32 : i32
    %dma_wait3A_426 = arith.constant 0 : i32
    %dma_wait3A_427 = tpu.memref_slice %arg6[%dma_wait3A_425, %dma_wait3A_426] : memref<64x1024xf32, #tpu.memory_space<vmem>> -> memref<16x1024xf32, #tpu.memory_space<vmem>>
    %dma_wait3A_428 = arith.constant 0 : i32
    %dma_wait3A_429 = tpu.memref_slice %arg4[%dma_wait3A_424, %add3A_166, %dma_wait3A_428] : memref<4x2048x1024xf32, #tpu.memory_space<hbm>> -> memref<1x16x1024xf32, #tpu.memory_space<hbm>>
    %dma_wait3A_430 = tpu.memref_squeeze %dma_wait3A_429 : memref<1x16x1024xf32, #tpu.memory_space<hbm>> -> memref<16x1024xf32, #tpu.memory_space<hbm>>
    %dma_wait3A_431 = arith.constant 0 : i32
    %dma_wait3A_432 = tpu.memref_slice %arg4[%dma_wait3A_424, %add3A_166, %dma_wait3A_431] : memref<4x2048x1024xf32, #tpu.memory_space<hbm>> -> memref<1x16x1024xf32, #tpu.memory_space<hbm>>
    %dma_wait3A_433 = tpu.memref_squeeze %dma_wait3A_432 : memref<1x16x1024xf32, #tpu.memory_space<hbm>> -> memref<16x1024xf32, #tpu.memory_space<hbm>>
    %dma_wait3A_434 = arith.constant 32 : i32
    %dma_wait3A_435 = arith.constant 0 : i32
    %dma_wait3A_436 = tpu.memref_slice %arg6[%dma_wait3A_434, %dma_wait3A_435] : memref<64x1024xf32, #tpu.memory_space<vmem>> -> memref<16x1024xf32, #tpu.memory_space<vmem>>
    tpu.wait_dma2 semaphore(%arg8 : memref<!tpu.dma_semaphore, #tpu.memory_space<semaphore_mem>>) src(%dma_wait3A_436 : memref<16x1024xf32, #tpu.memory_space<vmem>>) dst(%dma_wait3A_433 : memref<16x1024xf32, #tpu.memory_space<hbm>>)
    %dma_wait3A_437 = arith.constant 0 : i32
    %dma_wait3A_438 = arith.constant 48 : i32
    %dma_wait3A_439 = arith.constant 0 : i32
    %dma_wait3A_440 = tpu.memref_slice %arg6[%dma_wait3A_438, %dma_wait3A_439] : memref<64x1024xf32, #tpu.memory_space<vmem>> -> memref<16x1024xf32, #tpu.memory_space<vmem>>
    %dma_wait3A_441 = arith.constant 0 : i32
    %dma_wait3A_442 = tpu.memref_slice %arg4[%dma_wait3A_437, %add3A_228, %dma_wait3A_441] : memref<4x2048x1024xf32, #tpu.memory_space<hbm>> -> memref<1x16x1024xf32, #tpu.memory_space<hbm>>
    %dma_wait3A_443 = tpu.memref_squeeze %dma_wait3A_442 : memref<1x16x1024xf32, #tpu.memory_space<hbm>> -> memref<16x1024xf32, #tpu.memory_space<hbm>>
    %dma_wait3A_444 = arith.constant 0 : i32
    %dma_wait3A_445 = tpu.memref_slice %arg4[%dma_wait3A_437, %add3A_228, %dma_wait3A_444] : memref<4x2048x1024xf32, #tpu.memory_space<hbm>> -> memref<1x16x1024xf32, #tpu.memory_space<hbm>>
    %dma_wait3A_446 = tpu.memref_squeeze %dma_wait3A_445 : memref<1x16x1024xf32, #tpu.memory_space<hbm>> -> memref<16x1024xf32, #tpu.memory_space<hbm>>
    %dma_wait3A_447 = arith.constant 48 : i32
    %dma_wait3A_448 = arith.constant 0 : i32
    %dma_wait3A_449 = tpu.memref_slice %arg6[%dma_wait3A_447, %dma_wait3A_448] : memref<64x1024xf32, #tpu.memory_space<vmem>> -> memref<16x1024xf32, #tpu.memory_space<vmem>>
    tpu.wait_dma2 semaphore(%arg8 : memref<!tpu.dma_semaphore, #tpu.memory_space<semaphore_mem>>) src(%dma_wait3A_449 : memref<16x1024xf32, #tpu.memory_space<vmem>>) dst(%dma_wait3A_446 : memref<16x1024xf32, #tpu.memory_space<hbm>>)
    %dma_wait3A_450 = arith.constant 1 : i32
    %dma_wait3A_451 = arith.constant 48 : i32
    %dma_wait3A_452 = arith.constant 0 : i32
    %dma_wait3A_453 = tpu.memref_slice %arg6[%dma_wait3A_451, %dma_wait3A_452] : memref<64x1024xf32, #tpu.memory_space<vmem>> -> memref<16x1024xf32, #tpu.memory_space<vmem>>
    %dma_wait3A_454 = arith.constant 0 : i32
    %dma_wait3A_455 = tpu.memref_slice %arg4[%dma_wait3A_450, %add3A_228, %dma_wait3A_454] : memref<4x2048x1024xf32, #tpu.memory_space<hbm>> -> memref<1x16x1024xf32, #tpu.memory_space<hbm>>
    %dma_wait3A_456 = tpu.memref_squeeze %dma_wait3A_455 : memref<1x16x1024xf32, #tpu.memory_space<hbm>> -> memref<16x1024xf32, #tpu.memory_space<hbm>>
    %dma_wait3A_457 = arith.constant 0 : i32
    %dma_wait3A_458 = tpu.memref_slice %arg4[%dma_wait3A_450, %add3A_228, %dma_wait3A_457] : memref<4x2048x1024xf32, #tpu.memory_space<hbm>> -> memref<1x16x1024xf32, #tpu.memory_space<hbm>>
    %dma_wait3A_459 = tpu.memref_squeeze %dma_wait3A_458 : memref<1x16x1024xf32, #tpu.memory_space<hbm>> -> memref<16x1024xf32, #tpu.memory_space<hbm>>
    %dma_wait3A_460 = arith.constant 48 : i32
    %dma_wait3A_461 = arith.constant 0 : i32
    %dma_wait3A_462 = tpu.memref_slice %arg6[%dma_wait3A_460, %dma_wait3A_461] : memref<64x1024xf32, #tpu.memory_space<vmem>> -> memref<16x1024xf32, #tpu.memory_space<vmem>>
    tpu.wait_dma2 semaphore(%arg8 : memref<!tpu.dma_semaphore, #tpu.memory_space<semaphore_mem>>) src(%dma_wait3A_462 : memref<16x1024xf32, #tpu.memory_space<vmem>>) dst(%dma_wait3A_459 : memref<16x1024xf32, #tpu.memory_space<hbm>>)
    %dma_wait3A_463 = arith.constant 2 : i32
    %dma_wait3A_464 = arith.constant 48 : i32
    %dma_wait3A_465 = arith.constant 0 : i32
    %dma_wait3A_466 = tpu.memref_slice %arg6[%dma_wait3A_464, %dma_wait3A_465] : memref<64x1024xf32, #tpu.memory_space<vmem>> -> memref<16x1024xf32, #tpu.memory_space<vmem>>
    %dma_wait3A_467 = arith.constant 0 : i32
    %dma_wait3A_468 = tpu.memref_slice %arg4[%dma_wait3A_463, %add3A_228, %dma_wait3A_467] : memref<4x2048x1024xf32, #tpu.memory_space<hbm>> -> memref<1x16x1024xf32, #tpu.memory_space<hbm>>
    %dma_wait3A_469 = tpu.memref_squeeze %dma_wait3A_468 : memref<1x16x1024xf32, #tpu.memory_space<hbm>> -> memref<16x1024xf32, #tpu.memory_space<hbm>>
    %dma_wait3A_470 = arith.constant 0 : i32
    %dma_wait3A_471 = tpu.memref_slice %arg4[%dma_wait3A_463, %add3A_228, %dma_wait3A_470] : memref<4x2048x1024xf32, #tpu.memory_space<hbm>> -> memref<1x16x1024xf32, #tpu.memory_space<hbm>>
    %dma_wait3A_472 = tpu.memref_squeeze %dma_wait3A_471 : memref<1x16x1024xf32, #tpu.memory_space<hbm>> -> memref<16x1024xf32, #tpu.memory_space<hbm>>
    %dma_wait3A_473 = arith.constant 48 : i32
    %dma_wait3A_474 = arith.constant 0 : i32
    %dma_wait3A_475 = tpu.memref_slice %arg6[%dma_wait3A_473, %dma_wait3A_474] : memref<64x1024xf32, #tpu.memory_space<vmem>> -> memref<16x1024xf32, #tpu.memory_space<vmem>>
    tpu.wait_dma2 semaphore(%arg8 : memref<!tpu.dma_semaphore, #tpu.memory_space<semaphore_mem>>) src(%dma_wait3A_475 : memref<16x1024xf32, #tpu.memory_space<vmem>>) dst(%dma_wait3A_472 : memref<16x1024xf32, #tpu.memory_space<hbm>>)
    %dma_wait3A_476 = arith.constant 3 : i32
    %dma_wait3A_477 = arith.constant 48 : i32
    %dma_wait3A_478 = arith.constant 0 : i32
    %dma_wait3A_479 = tpu.memref_slice %arg6[%dma_wait3A_477, %dma_wait3A_478] : memref<64x1024xf32, #tpu.memory_space<vmem>> -> memref<16x1024xf32, #tpu.memory_space<vmem>>
    %dma_wait3A_480 = arith.constant 0 : i32
    %dma_wait3A_481 = tpu.memref_slice %arg4[%dma_wait3A_476, %add3A_228, %dma_wait3A_480] : memref<4x2048x1024xf32, #tpu.memory_space<hbm>> -> memref<1x16x1024xf32, #tpu.memory_space<hbm>>
    %dma_wait3A_482 = tpu.memref_squeeze %dma_wait3A_481 : memref<1x16x1024xf32, #tpu.memory_space<hbm>> -> memref<16x1024xf32, #tpu.memory_space<hbm>>
    %dma_wait3A_483 = arith.constant 0 : i32
    %dma_wait3A_484 = tpu.memref_slice %arg4[%dma_wait3A_476, %add3A_228, %dma_wait3A_483] : memref<4x2048x1024xf32, #tpu.memory_space<hbm>> -> memref<1x16x1024xf32, #tpu.memory_space<hbm>>
    %dma_wait3A_485 = tpu.memref_squeeze %dma_wait3A_484 : memref<1x16x1024xf32, #tpu.memory_space<hbm>> -> memref<16x1024xf32, #tpu.memory_space<hbm>>
    %dma_wait3A_486 = arith.constant 48 : i32
    %dma_wait3A_487 = arith.constant 0 : i32
    %dma_wait3A_488 = tpu.memref_slice %arg6[%dma_wait3A_486, %dma_wait3A_487] : memref<64x1024xf32, #tpu.memory_space<vmem>> -> memref<16x1024xf32, #tpu.memory_space<vmem>>
    tpu.wait_dma2 semaphore(%arg8 : memref<!tpu.dma_semaphore, #tpu.memory_space<semaphore_mem>>) src(%dma_wait3A_488 : memref<16x1024xf32, #tpu.memory_space<vmem>>) dst(%dma_wait3A_485 : memref<16x1024xf32, #tpu.memory_space<hbm>>)
    return
  }
}

</mosaic_0001>

<sc_bundles>
// kernel: kernel.3.cloned.1.call-start
scs
__scs_entry_jumppad:
0x0: {  	(pc) =	sbr.rel $0x88, $3  }
0x1: {  	(tag) =	ssettag $0x0;
	lr =	simm.s32 $0x1  }
0x2: {  	[smem:$0x3F9F] =	sst lr;
	_ =	strace $0xD0000000  }
0x3: {  	_ = 	snop  }
0x4: {  	_ = 	snop  }
0x5: {  	_ = 	snop  }
0x6: {  	_ = 	snop  }
0x7: {  	_ = 	snop  }
__scs_overlays_trampoline_lowered:
0x8: {  	[smem:$0x3FAE] =	sst s0  }
0x9: {  	[smem:$0x3FAF] =	sst s1  }
0xa: {  	[smem:$0x3FB0] =	sst s2  }
0xb: {  	[smem:$0x3FB1] =	sst s3  }
0xc: {  	[smem:$0x3FB2] =	sst s4  }
0xd: {  	[smem:$0x3FB3] =	sst s5  }
0xe: {  	[smem:$0x3FB4] =	sst s6  }
0xf: {  	[smem:$0x3FB5] =	sst s7  }
0x10: {  	[smem:$0x3FB6] =	sst s8  }
0x11: {  	[smem:$0x3FB7] =	sst s9;
	s0 =	simm.s32 @!p0 $0x0  }
0x12: {  	s1 =	sld [smem:$0x3F9D];
	s0 =	simm.s32 @p0 $0x1  }
0x13: {  	[smem:$0x3FB8] =	sst s0;
	s0 =	simm.s32 @!p1 $0x0  }
0x14: {  	s2 =	sld [smem:$0x3F9C];
	s0 =	simm.s32 @p1 $0x1  }
0x15: {  	[smem:$0x3FB9] =	sst s0;
	s0 =	simm.s32 @!p2 $0x0  }
0x16: {  	s3 =	sld [smem:$0x3FDB];
	s0 =	simm.s32 @p2 $0x1  }
0x17: {  	s4 =	simm.s32 $0x1BF5;
	[smem:$0x3FBB] =	sst s0  }
0x18: {  	s0 =	sld [smem:$0x3F9E];
	_ =	swait.ge [sflag:s4], $0x0  }
0x19: {  	s7 =	sld [smem:$0x3F9F]  }
0x1a: {  	s8 =	sadd.s32 $0xFFFFE003, lr  }
0x1b: {  	s9 =	sadd.s32 $0xFFFFFEF7, lr;
	s5 =	simm.s32 $0xFFFFFFFF;
	p2 =	slt.u32 s8, $0xFFFFF086  }
0x1c: {  	p1 =	slt.u32 s9, $0xF7A;
	s5 =	simm.s32 @!p2 $0x0  }
0x1d: {  	s5 =	simm.s32 @p1 $0x1;
	p0 =	seq.s32 s7, s2  }
0x1e: {  	s7 =	smul.u32 @!p0 $0xF7A, s2;
	p2 =	seq.s32 @!p0 s5, $0x0  }
0x1f: {  	s9 =	smul.u32 $0xF7A, s1;
	s8 =	simm.s32 @!p0 $0x1BF5;
	p2 =	por !p2, p0  }
0x20: {  	[sflag:s8] =	ssyncset.s32 @!p0 $0xFFFFF086;
	s6 =	sadd.s32 @!p0 s3, s7;
	s7 =	simm.s32 @!p0 $0x108  }
0x21: {  	s3 =	sadd.s32 s3, s9;
	s6 =	sadd.s32 @!p0 $0x88, s6;
	s7 =	simm.s32 @p2 $0x1082  }
0x22: {  	[simem:s7], [sflag:s8] =	dma.local @!p0 [hbm:s6], $0xF7A  }
0x23: {  	s9 =	sor.u32 $0xD0000000, s2;
	s6 =	simm.s32 $0x108;
	_ =	swait.ge @!p0 [sflag:s8], $0x0  }
0x24: {  	s3 =	sadd.s32 $0x88, s3;
	s6 =	simm.s32 @!p1 $0x1082;
	[sflag:s4] =	ssyncset.s32 $0xFFFFF086  }
0x25: {  	[simem:s6], [sflag:s4] =	dma.local [hbm:s3], $0xF7A  }
0x26: {  	[smem:$0x3F9F] =	sst s1;
	(tag) =	ssettag s2;
	_ =	strace s9  }
0x27: {  	s1 =	sld [smem:$0x3FAF]  }
0x28: {  	s2 =	sld [smem:$0x3FB0]  }
0x29: {  	s4 =	sld [smem:$0x3FB2]  }
0x2a: {  	p0 =	seq.s32 s5, $0x0;
	s5 =	sld [smem:$0x3FB3]  }
0x2b: {  	s6 =	sld [smem:$0x3FB4]  }
0x2c: {  	s7 =	sld [smem:$0x3FB5]  }
0x2d: {  	s3 =	simm.s32 $0x108;
	s8 =	sld [smem:$0x3FB6]  }
0x2e: {  	s3 =	simm.s32 @!p0 $0x1082;
	s9 =	sld [smem:$0x3FB7]  }
0x2f: {  	lr =	sadd.s32 s0, s3;
	s0 =	sld [smem:$0x3FAE]  }
0x30: {  	s3 =	sld [smem:$0x3FB1]  }
0x31: {  	[smem:$0x3FBA] =	sst s10  }
0x32: {  	s10 =	sld [smem:$0x3FB8];
	_ =	sdelay $0x3  }
0x33: {  	p0 =	seq.s32 s10, $0x1;
	s10 =	sld [smem:$0x3FBA];
	_ =	sdelay $0x3  }
0x34: {  	[smem:$0x3FBA] =	sst s10  }
0x35: {  	s10 =	sld [smem:$0x3FB9];
	_ =	sdelay $0x3  }
0x36: {  	p1 =	seq.s32 s10, $0x1;
	s10 =	sld [smem:$0x3FBA];
	_ =	sdelay $0x3  }
0x37: {  	[smem:$0x3FBA] =	sst s10  }
0x38: {  	s10 =	sld [smem:$0x3FBB]  }
0x39: {  	_ = 	snop;
	(pc) =	sbr.ind lr, $3  }
0x3a: {  	_ = 	snop  }
0x3b: {  	_ = 	snop  }
0x3c: {  	p2 =	seq.s32 s10, $0x1;
	s10 =	sld [smem:$0x3FBA]  }
0x3d: {  	_ =	shalt  }
0x3e: {  	_ =	shalt  }
0x3f: {  	_ =	shalt  }
0x40: {  	_ =	shalt  }
0x41: {  	_ =	shalt  }
0x42: {  	_ =	shalt  }
0x43: {  	_ =	shalt  }
0x44: {  	_ =	shalt  }
0x45: {  	_ =	shalt  }
0x46: {  	_ =	shalt  }
0x47: {  	_ =	shalt  }
0x48: {  	_ =	shalt  }
0x49: {  	_ =	shalt  }
0x4a: {  	_ =	shalt  }
0x4b: {  	_ =	shalt  }
0x4c: {  	_ =	shalt  }
0x4d: {  	_ =	shalt  }
0x4e: {  	_ =	shalt  }
0x4f: {  	_ =	shalt  }
0x50: {  	_ =	shalt  }
0x51: {  	_ =	shalt  }
0x52: {  	_ =	shalt  }
0x53: {  	_ =	shalt  }
0x54: {  	_ =	shalt  }
0x55: {  	_ =	shalt  }
0x56: {  	_ =	shalt  }
0x57: {  	_ =	shalt  }
0x58: {  	_ =	shalt  }
0x59: {  	_ =	shalt  }
0x5a: {  	_ =	shalt  }
0x5b: {  	_ =	shalt  }
0x5c: {  	_ =	shalt  }
0x5d: {  	_ =	shalt  }
0x5e: {  	_ =	shalt  }
0x5f: {  	_ =	shalt  }
0x60: {  	_ =	shalt  }
0x61: {  	_ =	shalt  }
0x62: {  	_ =	shalt  }
0x63: {  	_ =	shalt  }
0x64: {  	_ =	shalt  }
0x65: {  	_ =	shalt  }
0x66: {  	_ =	shalt  }
0x67: {  	_ =	shalt  }
0x68: {  	_ =	shalt  }
0x69: {  	_ =	shalt  }
0x6a: {  	_ =	shalt  }
0x6b: {  	_ =	shalt  }
0x6c: {  	_ =	shalt  }
0x6d: {  	_ =	shalt  }
0x6e: {  	_ =	shalt  }
0x6f: {  	_ =	shalt  }
0x70: {  	_ =	shalt  }
0x71: {  	_ =	shalt  }
0x72: {  	_ =	shalt  }
0x73: {  	_ =	shalt  }
0x74: {  	_ =	shalt  }
0x75: {  	_ =	shalt  }
0x76: {  	_ =	shalt  }
0x77: {  	_ =	shalt  }
0x78: {  	_ =	shalt  }
0x79: {  	_ =	shalt  }
0x7a: {  	_ =	shalt  }
0x7b: {  	_ =	shalt  }
0x7c: {  	_ =	shalt  }
0x7d: {  	_ =	shalt  }
0x7e: {  	_ =	shalt  }
0x7f: {  	_ =	shalt  }
0x80: {  	_ =	shalt  }
0x81: {  	_ =	shalt  }
0x82: {  	_ =	shalt  }
0x83: {  	_ =	shalt  }
0x84: {  	_ =	shalt  }
0x85: {  	_ =	shalt  }
0x86: {  	_ =	shalt  }
0x87: {  	_ =	shalt  }
.Lfunc_end0:
.L_simem_size_0:
called_computation_lowered:
.L_overlay_start_0:
0x88: {  	s2 =	sld [smem:$0x3FD9]  }
0x89: {  	s3 =	sld [smem:$0x3FFE];
	_ =	sdelay $0x1  }
0x8a: {  	s1 =	srdreg.scid  }
0x8b: {  	s0 =	sand.u32 $0x1, s1  }
0x8c: {  	s18 =	sshll.u32 s0, $0xA;
	s2 =	sadd.s32 s3, s2  }
0x8d: {  	s2 =	sadd.s32 s2, s18  }
0x8e: {  	[smem:$0x3FC6] =	sst s2  }
0x8f: {  	_ = 	snop  }
0x90: {  	s2 =	sld [smem:$0x3FC9]  }
0x91: {  	s19 =	sld [smem:$0x3FC8]  }
0x92: {  	s4 =	sld [smem:$0x3FD0];
	(tm) =	ssettm $0x1  }
0x93: {  	s5 =	sld [smem:$0x3FFB];
	_ =	sdelay $0x3  }
0x94: {  	_ =	strace s5  }
0x95: {  	s5 =	sld [smem:$0x3FFC];
	_ =	sdelay $0x3  }
0x96: {  	_ =	strace s5  }
0x97: {  	s5 =	sld [smem:$0x3FFD];
	_ =	sdelay $0x3  }
0x98: {  	_ =	strace s5  }
0x99: {  	_ =	strace $0x8FFFFFFF  }
0x9a: {  	s20 =	sld [smem:$0x3FDB];
	_ =	sdelay $0x1  }
0x9b: {  	s6 =	simm.s32 $_scs_section_size  }
0x9c: {  	s7 =	simm.s32 $_size__tile_overlayer_lowered;
	s8 =	simm.s32 $_tile_overlayer_lowered  }
0x9d: {  	s23 =	simm.s32 $0x1BFF;
	s22 =	sshll.u32 s8, $0x1;
	s5 =	sadd.s32 s6, s20  }
0x9e: {  	s9 =	simm.s32 $0x0;
	s21 =	sshll.u32 s7, $0x1;
	s7 =	sadd.s32 s22, s5  }
0x9f: {  	[timem:s9], [sflag:s23] =	dma.local [hbm:s7], s21  }
0xa0: {  	_ =	swait.ge [sflag:s23], s21  }
0xa1: {  	s6 =	ssub.s32 $0x0, s21;
	[sflag:s23] =	ssyncset.done $0x0  }
0xa2: {  	[sflag:s23] =	ssyncadd.s32 s6;
	_ =	sdelay $0x1  }
0xa3: {  	s24 =	simm.s32 $0x1B8B  }
0xa4: {  	_ =	swait.ge [sflag:s24], $0x1  }
0xa5: {  	[sflag:s24] =	ssyncset.done $0x0  }
0xa6: {  	s25 =	simm.s32 $0x1B8E;
	[sflag:s24] =	ssyncadd.s32 $0xFFFFFFFF  }
0xa7: {  	s26 =	simm.s32 $execute0_lowered;
	[smem:$0x3FD2] =	sst s25  }
0xa8: {  	s6 =	sshll.u32 s26, $0x1;
	_ =	strace $0x80000046;
	[dreg:$0x1] =	wrdreg $0xFFFFFFFF  }
0xa9: {  	s28 =	simm.s32 $_size_execute0_lowered;
	s5 =	sadd.s32 s5, s6;
	[dreg:$0x0] =	wrdreg $0x0  }
0xaa: {  	s6 =	sshll.u32 s28, $0x1;
	[dreg:$0x2] =	wrdreg s5  }
0xab: {  	[dreg:$0x3] =	wrdreg s6  }
0xac: {  	[dreg:$0x4] =	wrdreg $0xC0  }
0xad: {  	_ =	task [dreg:s9], $0x5FFFF  }
0xae: {  	[dreg:$0x1] =	wrdreg $0xFFFFFFFF  }
0xaf: {  	[dreg:$0x0] =	wrdreg $0x60  }
0xb0: {  	[dreg:$0x2] =	wrdreg s2  }
0xb1: {  	[dreg:$0x3] =	wrdreg s19  }
0xb2: {  	[dreg:$0x4] =	wrdreg s4  }
0xb3: {  	[dreg:$0x5] =	wrdreg $0x9  }
0xb4: {  	_ =	task.clear_ibuf [dreg:s9], $0x6FFFF;
	_ =	strace $0x90000046  }
0xb5: {  	s29 =	simm.s32 $0x9;
	_ =	strace $0x80000048  }
0xb6: {  	_ =	swait.ge [sflag:s29], $0x1  }
0xb7: {  	[sflag:s29] =	ssyncadd.s32 $0xFFFFFFFF  }
0xb8: {  	_ =	strace $0x90000048  }
0xb9: {  	_ =	sfence  }
0xba: {  	s30 =	sld [smem:$0x0];
	_ =	sdelay $0x2  }
0xbb: {  	s31 =	sshll.u32 s1, $0xD;
	s1 =	sshrl.u32 s1, $0x2  }
0xbc: {  	s3 =	sand.u32 $0x4000, s31;
	s1 =	sadd.s32 s1, s30  }
0xbd: {  	s0 =	sor.u32 s3, s0;
	s1 =	sshll.u32 s1, $0x11  }
0xbe: {  	s0 =	sor.u32 s1, s0  }
0xbf: {  	s0 =	sadd.s32 $0x8F2B, s0  }
0xc0: {  	[sflag:s0] =	ssyncadd.remote.s32 $0x1  }
0xc1: {  	_ =	sfence.sel $0xFFFF  }
0xc2: {  	[dreg:$0x0] =	wrdreg $0xFFFFFFFF;
	(pc) =	sbr.abs _section_cstart, $3  }
0xc3: {  	[dreg:$0x1] =	wrdreg $0xFFFFFFFF  }
0xc4: {  	_ =	task.clear_ibuf [dreg:s9], $0x2FFFF;
	_ =	strace $0x9FFFFFFF  }
0xc5: {  	(tm) =	ssettm $0x7FFFFFFF  }
tec
execute0_lowered:
.L_overlay_start_1:
0x0: {  	(tag) =	ssettag $0x1  }
0x1: {  	s1 =	rddreg [dreg:$0x0]  }
0x2: {  	s2 =	srdreg.scid;
	s4 =	rddreg [dreg:$0x1]  }
0x3: {  	s0 =	stileid.u32;
	s5 =	rddreg [dreg:$0x2];
	s3 =	simm.s32 $0x0  }
0x4: {  	s16 =	simm.s32 $0x880;
	s17 =	simm.s32 $0x1080;
	[smem:$0x7FF] =	sst s3  }
0x5: {  	s18 =	simm.s32 $0x1880;
	_ =	strace $0x80000047;
	[dreg:$0x14] =	wrdreg s16  }
0x6: {  	s20 =	simm.s32 $0x2080;
	s21 =	simm.s32 $0x2880;
	[dreg:$0x15] =	wrdreg s17  }
0x7: {  	s22 =	simm.s32 $0x3080;
	s2 =	sand.u32 $0x1, s2;
	[dreg:$0x16] =	wrdreg s18  }
0x8: {  	s7 =	sshll.u32 s0, $0x6;
	s6 =	sshll.u32 s2, $0xA;
	[dreg:$0x17] =	wrdreg s20  }
0x9: {  	s23 =	simm.s32 $0x5080;
	[dreg:$0x18] =	wrdreg s21;
	s6 =	sor.u32 s7, s6  }
0xa: {  	[dreg:$0x19] =	wrdreg s22;
	s7 =	sshrl.u32 s6, $0x3;
	s6 =	sshll.u32 s6, $0x7  }
0xb: {  	[dreg:$0x1c] =	wrdreg s23;
	s7 =	sadd.s32 s4, s7;
	s4 =	sadd.s32 s5, s6  }
0xc: {  	[dreg:$0x4] =	wrdreg s7;
	s5 =	sadd.s32 $0x40000, s4  }
0xd: {  	s24 =	sadd.s32 $0x80000, s4;
	[dreg:$0x5] =	wrdreg s5  }
0xe: {  	s28 =	simm.s32 $0xE880;
	s25 =	sadd.s32 $0xC0000, s4;
	[dreg:$0x6] =	wrdreg s24  }
0xf: {  	s29 =	simm.s32 $0xF080;
	s26 =	sadd.s32 $0x800, s4;
	[dreg:$0x7] =	wrdreg s25  }
0x10: {  	s30 =	simm.s32 $0xF880;
	s0 =	sadd.s32 $0x40800, s4;
	[dreg:$0x8] =	wrdreg s26  }
0x11: {  	s31 =	simm.s32 $0x1;
	s6 =	sadd.s32 $0x80800, s4;
	[dreg:$0x9] =	wrdreg s0  }
0x12: {  	s2 =	ssub.s32 $0x2, s2;
	s7 =	sadd.s32 $0xC0800, s4;
	[dreg:$0xa] =	wrdreg s6  }
0x13: {  	s16 =	simm.s32 $0x9080;
	s8 =	sadd.s32 $0x1000, s4;
	[dreg:$0xb] =	wrdreg s7  }
0x14: {  	s17 =	simm.s32 $0x9880;
	s9 =	sadd.s32 $0x41000, s4;
	[dreg:$0xc] =	wrdreg s8  }
0x15: {  	s18 =	simm.s32 $0xA080;
	s10 =	sadd.s32 $0x81000, s4;
	[dreg:$0xd] =	wrdreg s9  }
0x16: {  	s20 =	simm.s32 $0xB080;
	s11 =	sadd.s32 $0xC1000, s4;
	[dreg:$0xe] =	wrdreg s10  }
0x17: {  	s21 =	simm.s32 $0xB880;
	s12 =	sadd.s32 $0x1800, s4;
	[dreg:$0xf] =	wrdreg s11  }
0x18: {  	s22 =	simm.s32 $0xC080;
	s13 =	sadd.s32 $0x41800, s4;
	[dreg:$0x10] =	wrdreg s12  }
0x19: {  	s23 =	simm.s32 $0xC880;
	s14 =	sadd.s32 $0x81800, s4;
	[dreg:$0x11] =	wrdreg s13  }
0x1a: {  	s19 =	sshrl.u32 s2, $0x1;
	s15 =	sadd.s32 $0xC1800, s4;
	[dreg:$0x12] =	wrdreg s14  }
0x1b: {  	s2 =	ssub.s32 s2, s19;
	s19 =	simm.s32 $0xA880;
	[dreg:$0x13] =	wrdreg s15  }
0x1c: {  	s5 =	sadd.s32 $0x100, s1;
	s6 =	sadd.s32 $0x200, s1;
	s8 =	simm.s32 $0x3880  }
0x1d: {  	s7 =	sadd.s32 $0x300, s1;
	s9 =	simm.s32 $0x4880;
	s24 =	simm.s32 $0x5880  }
0x1e: {  	s10 =	simm.s32 $0x80;
	s25 =	simm.s32 $0x6080;
	[dreg:$0x1a] =	wrdreg s8  }
0x1f: {  	s11 =	simm.s32 $0x4080;
	s26 =	simm.s32 $0x6880;
	[dreg:$0x1b] =	wrdreg s9  }
0x20: {  	s13 =	simm.s32 $0x7880;
	s14 =	simm.s32 $0x8080;
	[dreg:$0x1d] =	wrdreg s24  }
0x21: {  	v2 =	vlaneseq.u32;
	s15 =	simm.s32 $0x8880;
	s8 =	smax.u32 s2, $0x1;
	[dreg:$0x1e] =	wrdreg s25  }
0x22: {  	vm0 =	vmmov $0xffff;
	v1 =	vshrl.u32 v2, $0x3;
	s9 =	simm.s32 $0x3;
	[dreg:$0x1f] =	wrdreg s26;
	s24 =	simm.s32 $0xD080  }
0x23: {  	v0 =	vand.u32 $0x7, v2;
	v2 =	vor.u32 $0x8, v2;
	v1 =	vmul.u32 $0x8, v1;
	s25 =	simm.s32 $0xD880;
	s26 =	simm.s32 $0xE080;
	s2 =	simm.s32 $0x2  }
.LBB2_1:
0x24: {  	s0 =	rddreg [dreg:$0x4]  }
0x25: {  	[tilespmem:s3], [sflag:$0x3] =	stream.linear.gather [hbm4b:s0+s3], $0x40, $0x38;
	[tilespmem:$0x10080] =	vst v63  }
0x26: {  	_ =	swait.ge [sflag:s9], $0x40  }
0x27: {  	[sflag:s9] =	ssyncset.done $0x0  }
0x28: {  	[sflag:s9] =	ssyncadd.s32 $0xFFFFFFC0  }
0x29: {  	v3 =	vld [tilespmem:$0x0];
	_ =	sdelay $0x4  }
0x2a: {  	v4 =	vshll.u32 v3, $0x3  }
0x2b: {  	v3 =	vand.u32 $0x7, v3;
	v4 =	vand.u32 $0xFFFFFFC0, v4  }
0x2c: {  	v3 =	vor.u32 v3, v4  }
0x2d: {  	v4 =	vperm.xlane v3, v0;
	_ =	sdelay $0x1  }
0x2e: {  	v4 =	vadd.s32 v1, v4;
	_ =	sdelay $0x4  }
0x2f: {  	[tilespmem:s10], [sflag:$0x1] =	stream.indirect_vreg.gather [hbm4b:s1+s3], $0x80, v4, vm0, $0xb8;
	[tilespmem:$0x10080] =	vst v63  }
0x30: {  	s0 =	rddreg [dreg:$0x14];
	v3 =	vperm.xlane v3, v2  }
0x31: {  	[tilespmem:s0], [sflag:$0x1] =	stream.indirect_vreg.gather [hbm4b:s5+s3], $0x80, v4, vm0, $0xb8;
	[tilespmem:$0x10080] =	vst v63  }
0x32: {  	s12 =	rddreg [dreg:$0x15];
	v3 =	vadd.s32 v1, v3  }
0x33: {  	[tilespmem:s12], [sflag:$0x1] =	stream.indirect_vreg.gather [hbm4b:s6+s3], $0x80, v4, vm0, $0xb8;
	[tilespmem:$0x10080] =	vst v63  }
0x34: {  	s0 =	rddreg [dreg:$0x16]  }
0x35: {  	[tilespmem:s0], [sflag:$0x1] =	stream.indirect_vreg.gather [hbm4b:s7+s3], $0x80, v4, vm0, $0xb8;
	[tilespmem:$0x10080] =	vst v63  }
0x36: {  	s12 =	rddreg [dreg:$0x17]  }
0x37: {  	[tilespmem:s12], [sflag:$0x1] =	stream.indirect_vreg.gather [hbm4b:s1+s3], $0x80, v3, vm0, $0xb8;
	[tilespmem:$0x10080] =	vst v63  }
0x38: {  	s0 =	rddreg [dreg:$0x18]  }
0x39: {  	[tilespmem:s0], [sflag:$0x1] =	stream.indirect_vreg.gather [hbm4b:s5+s3], $0x80, v3, vm0, $0xb8;
	[tilespmem:$0x10080] =	vst v63  }
0x3a: {  	s12 =	rddreg [dreg:$0x19]  }
0x3b: {  	[tilespmem:s12], [sflag:$0x1] =	stream.indirect_vreg.gather [hbm4b:s6+s3], $0x80, v3, vm0, $0xb8;
	[tilespmem:$0x10080] =	vst v63  }
0x3c: {  	s0 =	rddreg [dreg:$0x1a]  }
0x3d: {  	[tilespmem:s0], [sflag:$0x1] =	stream.indirect_vreg.gather [hbm4b:s7+s3], $0x80, v3, vm0, $0xb8;
	[tilespmem:$0x10080] =	vst v63  }
0x3e: {  	v3 =	vld [tilespmem:$0x10];
	_ =	sdelay $0x4  }
0x3f: {  	v61 =	vshll.u32 v3, $0x3  }
0x40: {  	v3 =	vand.u32 $0x7, v3;
	v4 =	vand.u32 $0xFFFFFFC0, v61  }
0x41: {  	v3 =	vor.u32 v3, v4  }
0x42: {  	v4 =	vperm.xlane v3, v0;
	_ =	sdelay $0x1  }
0x43: {  	v4 =	vadd.s32 v1, v4;
	_ =	sdelay $0x4  }
0x44: {  	[tilespmem:s11], [sflag:$0x1] =	stream.indirect_vreg.gather [hbm4b:s1+s3], $0x80, v4, vm0, $0xb8;
	[tilespmem:$0x10080] =	vst v63  }
0x45: {  	s0 =	rddreg [dreg:$0x1b];
	v3 =	vperm.xlane v3, v2  }
0x46: {  	[tilespmem:s0], [sflag:$0x1] =	stream.indirect_vreg.gather [hbm4b:s5+s3], $0x80, v4, vm0, $0xb8;
	[tilespmem:$0x10080] =	vst v63  }
0x47: {  	s12 =	rddreg [dreg:$0x1c];
	v3 =	vadd.s32 v1, v3  }
0x48: {  	[tilespmem:s12], [sflag:$0x1] =	stream.indirect_vreg.gather [hbm4b:s6+s3], $0x80, v4, vm0, $0xb8;
	[tilespmem:$0x10080] =	vst v63  }
0x49: {  	s0 =	rddreg [dreg:$0x1d]  }
0x4a: {  	[tilespmem:s0], [sflag:$0x1] =	stream.indirect_vreg.gather [hbm4b:s7+s3], $0x80, v4, vm0, $0xb8;
	[tilespmem:$0x10080] =	vst v63  }
0x4b: {  	s12 =	rddreg [dreg:$0x1e]  }
0x4c: {  	[tilespmem:s12], [sflag:$0x1] =	stream.indirect_vreg.gather [hbm4b:s1+s3], $0x80, v3, vm0, $0xb8;
	[tilespmem:$0x10080] =	vst v63  }
0x4d: {  	s0 =	rddreg [dreg:$0x1f]  }
0x4e: {  	[tilespmem:s0], [sflag:$0x1] =	stream.indirect_vreg.gather [hbm4b:s5+s3], $0x80, v3, vm0, $0xb8;
	[tilespmem:$0x10080] =	vst v63  }
0x4f: {  	s12 =	simm.s32 $0x7080  }
0x50: {  	[tilespmem:s12], [sflag:$0x1] =	stream.indirect_vreg.gather [hbm4b:s6+s3], $0x80, v3, vm0, $0xb8;
	[tilespmem:$0x10080] =	vst v63  }
0x51: {  	_ = 	snop  }
0x52: {  	[tilespmem:s13], [sflag:$0x1] =	stream.indirect_vreg.gather [hbm4b:s7+s3], $0x80, v3, vm0, $0xb8;
	[tilespmem:$0x10080] =	vst v63  }
0x53: {  	v3 =	vld [tilespmem:$0x20];
	_ =	sdelay $0x4  }
0x54: {  	v62 =	vshll.u32 v3, $0x3  }
0x55: {  	v3 =	vand.u32 $0x7, v3;
	v4 =	vand.u32 $0xFFFFFFC0, v62  }
0x56: {  	v3 =	vor.u32 v3, v4  }
0x57: {  	v4 =	vperm.xlane v3, v0;
	_ =	sdelay $0x1  }
0x58: {  	v4 =	vadd.s32 v1, v4;
	_ =	sdelay $0x4  }
0x59: {  	[tilespmem:s14], [sflag:$0x1] =	stream.indirect_vreg.gather [hbm4b:s1+s3], $0x80, v4, vm0, $0xb8;
	[tilespmem:$0x10080] =	vst v63  }
0x5a: {  	v3 =	vperm.xlane v3, v2  }
0x5b: {  	[tilespmem:s15], [sflag:$0x1] =	stream.indirect_vreg.gather [hbm4b:s5+s3], $0x80, v4, vm0, $0xb8;
	[tilespmem:$0x10080] =	vst v63  }
0x5c: {  	v3 =	vadd.s32 v1, v3  }
0x5d: {  	[tilespmem:s16], [sflag:$0x1] =	stream.indirect_vreg.gather [hbm4b:s6+s3], $0x80, v4, vm0, $0xb8;
	[tilespmem:$0x10080] =	vst v63  }
0x5e: {  	_ = 	snop  }
0x5f: {  	[tilespmem:s17], [sflag:$0x1] =	stream.indirect_vreg.gather [hbm4b:s7+s3], $0x80, v4, vm0, $0xb8;
	[tilespmem:$0x10080] =	vst v63  }
0x60: {  	_ = 	snop  }
0x61: {  	[tilespmem:s18], [sflag:$0x1] =	stream.indirect_vreg.gather [hbm4b:s1+s3], $0x80, v3, vm0, $0xb8;
	[tilespmem:$0x10080] =	vst v63  }
0x62: {  	_ = 	snop  }
0x63: {  	[tilespmem:s19], [sflag:$0x1] =	stream.indirect_vreg.gather [hbm4b:s5+s3], $0x80, v3, vm0, $0xb8;
	[tilespmem:$0x10080] =	vst v63  }
0x64: {  	_ = 	snop  }
0x65: {  	[tilespmem:s20], [sflag:$0x1] =	stream.indirect_vreg.gather [hbm4b:s6+s3], $0x80, v3, vm0, $0xb8;
	[tilespmem:$0x10080] =	vst v63  }
0x66: {  	_ = 	snop  }
0x67: {  	[tilespmem:s21], [sflag:$0x1] =	stream.indirect_vreg.gather [hbm4b:s7+s3], $0x80, v3, vm0, $0xb8;
	[tilespmem:$0x10080] =	vst v63  }
0x68: {  	v3 =	vld [tilespmem:$0x30];
	_ =	sdelay $0x4  }
0x69: {  	v63 =	vshll.u32 v3, $0x3  }
0x6a: {  	v3 =	vand.u32 $0x7, v3;
	v4 =	vand.u32 $0xFFFFFFC0, v63  }
0x6b: {  	v3 =	vor.u32 v3, v4  }
0x6c: {  	v4 =	vperm.xlane v3, v0;
	_ =	sdelay $0x1  }
0x6d: {  	v4 =	vadd.s32 v1, v4;
	_ =	sdelay $0x4  }
0x6e: {  	[tilespmem:s22], [sflag:$0x1] =	stream.indirect_vreg.gather [hbm4b:s1+s3], $0x80, v4, vm0, $0xb8;
	[tilespmem:$0x10080] =	vst v63  }
0x6f: {  	v3 =	vperm.xlane v3, v2  }
0x70: {  	[tilespmem:s23], [sflag:$0x1] =	stream.indirect_vreg.gather [hbm4b:s5+s3], $0x80, v4, vm0, $0xb8;
	[tilespmem:$0x10080] =	vst v63  }
0x71: {  	v3 =	vadd.s32 v1, v3  }
0x72: {  	[tilespmem:s24], [sflag:$0x1] =	stream.indirect_vreg.gather [hbm4b:s6+s3], $0x80, v4, vm0, $0xb8;
	[tilespmem:$0x10080] =	vst v63  }
0x73: {  	_ = 	snop  }
0x74: {  	[tilespmem:s25], [sflag:$0x1] =	stream.indirect_vreg.gather [hbm4b:s7+s3], $0x80, v4, vm0, $0xb8;
	[tilespmem:$0x10080] =	vst v63  }
0x75: {  	_ = 	snop  }
0x76: {  	[tilespmem:s26], [sflag:$0x1] =	stream.indirect_vreg.gather [hbm4b:s1+s3], $0x80, v3, vm0, $0xb8;
	[tilespmem:$0x10080] =	vst v63  }
0x77: {  	_ = 	snop  }
0x78: {  	[tilespmem:s28], [sflag:$0x1] =	stream.indirect_vreg.gather [hbm4b:s5+s3], $0x80, v3, vm0, $0xb8;
	[tilespmem:$0x10080] =	vst v63  }
0x79: {  	_ = 	snop  }
0x7a: {  	[tilespmem:s29], [sflag:$0x1] =	stream.indirect_vreg.gather [hbm4b:s6+s3], $0x80, v3, vm0, $0xb8;
	[tilespmem:$0x10080] =	vst v63  }
0x7b: {  	_ = 	snop  }
0x7c: {  	[tilespmem:s30], [sflag:$0x1] =	stream.indirect_vreg.gather [hbm4b:s7+s3], $0x80, v3, vm0, $0xb8;
	[tilespmem:$0x10080] =	vst v63  }
0x7d: {  	_ =	swait.ge [sflag:s31], $0x4000  }
0x7e: {  	[sflag:s31] =	ssyncset.done $0x0  }
0x7f: {  	[sflag:s31] =	ssyncadd.s32 $0xFFFFC000  }
0x80: {  	[hbm4b:s4+s3] =	stream.linear.scatter [tilespmem:s10], [sflag:$0x2], $0x4000, $0x38;
	[tilespmem:$0x10080] =	vst v63  }
0x81: {  	s0 =	rddreg [dreg:$0x5]  }
0x82: {  	[hbm4b:s0+s3] =	stream.linear.scatter [tilespmem:s10], [sflag:$0x2], $0x4000, $0x38;
	[tilespmem:$0x10080] =	vst v63  }
0x83: {  	s12 =	rddreg [dreg:$0x6]  }
0x84: {  	[hbm4b:s12+s3] =	stream.linear.scatter [tilespmem:s10], [sflag:$0x2], $0x4000, $0x38;
	[tilespmem:$0x10080] =	vst v63  }
0x85: {  	s0 =	rddreg [dreg:$0x7]  }
0x86: {  	[hbm4b:s0+s3] =	stream.linear.scatter [tilespmem:s10], [sflag:$0x2], $0x4000, $0x38;
	[tilespmem:$0x10080] =	vst v63  }
0x87: {  	_ =	swait.ge [sflag:s31], $0x4000  }
0x88: {  	[sflag:s31] =	ssyncset.done $0x0  }
0x89: {  	s0 =	rddreg [dreg:$0x8];
	[sflag:s31] =	ssyncadd.s32 $0xFFFFC000  }
0x8a: {  	[hbm4b:s0+s3] =	stream.linear.scatter [tilespmem:s11], [sflag:$0x2], $0x4000, $0x38;
	[tilespmem:$0x10080] =	vst v63  }
0x8b: {  	s12 =	rddreg [dreg:$0x9]  }
0x8c: {  	[hbm4b:s12+s3] =	stream.linear.scatter [tilespmem:s11], [sflag:$0x2], $0x4000, $0x38;
	[tilespmem:$0x10080] =	vst v63  }
0x8d: {  	s0 =	rddreg [dreg:$0xa]  }
0x8e: {  	[hbm4b:s0+s3] =	stream.linear.scatter [tilespmem:s11], [sflag:$0x2], $0x4000, $0x38;
	[tilespmem:$0x10080] =	vst v63  }
0x8f: {  	s12 =	rddreg [dreg:$0xb]  }
0x90: {  	[hbm4b:s12+s3] =	stream.linear.scatter [tilespmem:s11], [sflag:$0x2], $0x4000, $0x38;
	[tilespmem:$0x10080] =	vst v63  }
0x91: {  	_ =	swait.ge [sflag:s31], $0x4000  }
0x92: {  	[sflag:s31] =	ssyncset.done $0x0  }
0x93: {  	s0 =	rddreg [dreg:$0xc];
	[sflag:s31] =	ssyncadd.s32 $0xFFFFC000  }
0x94: {  	[hbm4b:s0+s3] =	stream.linear.scatter [tilespmem:s14], [sflag:$0x2], $0x4000, $0x38;
	[tilespmem:$0x10080] =	vst v63  }
0x95: {  	s12 =	rddreg [dreg:$0xd]  }
0x96: {  	[hbm4b:s12+s3] =	stream.linear.scatter [tilespmem:s14], [sflag:$0x2], $0x4000, $0x38;
	[tilespmem:$0x10080] =	vst v63  }
0x97: {  	s0 =	rddreg [dreg:$0xe]  }
0x98: {  	[hbm4b:s0+s3] =	stream.linear.scatter [tilespmem:s14], [sflag:$0x2], $0x4000, $0x38;
	[tilespmem:$0x10080] =	vst v63  }
0x99: {  	s12 =	rddreg [dreg:$0xf]  }
0x9a: {  	[hbm4b:s12+s3] =	stream.linear.scatter [tilespmem:s14], [sflag:$0x2], $0x4000, $0x38;
	[tilespmem:$0x10080] =	vst v63  }
0x9b: {  	_ =	swait.ge [sflag:s31], $0x4000  }
0x9c: {  	[sflag:s31] =	ssyncset.done $0x0  }
0x9d: {  	s0 =	rddreg [dreg:$0x10];
	[sflag:s31] =	ssyncadd.s32 $0xFFFFC000  }
0x9e: {  	[hbm4b:s0+s3] =	stream.linear.scatter [tilespmem:s22], [sflag:$0x2], $0x4000, $0x38;
	[tilespmem:$0x10080] =	vst v63  }
0x9f: {  	s12 =	rddreg [dreg:$0x11]  }
0xa0: {  	[hbm4b:s12+s3] =	stream.linear.scatter [tilespmem:s22], [sflag:$0x2], $0x4000, $0x38;
	[tilespmem:$0x10080] =	vst v63  }
0xa1: {  	s0 =	rddreg [dreg:$0x12]  }
0xa2: {  	[hbm4b:s0+s3] =	stream.linear.scatter [tilespmem:s22], [sflag:$0x2], $0x4000, $0x38;
	[tilespmem:$0x10080] =	vst v63  }
0xa3: {  	s12 =	rddreg [dreg:$0x13]  }
0xa4: {  	[hbm4b:s12+s3] =	stream.linear.scatter [tilespmem:s22], [sflag:$0x2], $0x4000, $0x38;
	[tilespmem:$0x10080] =	vst v63  }
0xa5: {  	_ =	swait.ge [sflag:s2], $0x4000  }
0xa6: {  	[sflag:s2] =	ssyncset.done $0x0  }
0xa7: {  	[sflag:s2] =	ssyncadd.s32 $0xFFFFC000  }
0xa8: {  	_ =	swait.ge [sflag:s2], $0x4000  }
0xa9: {  	[sflag:s2] =	ssyncset.done $0x0  }
0xaa: {  	[sflag:s2] =	ssyncadd.s32 $0xFFFFC000  }
0xab: {  	_ =	swait.ge [sflag:s2], $0x4000  }
0xac: {  	[sflag:s2] =	ssyncset.done $0x0  }
0xad: {  	[sflag:s2] =	ssyncadd.s32 $0xFFFFC000  }
0xae: {  	_ =	swait.ge [sflag:s2], $0x4000  }
0xaf: {  	[sflag:s2] =	ssyncset.done $0x0  }
0xb0: {  	[sflag:s2] =	ssyncadd.s32 $0xFFFFC000  }
0xb1: {  	_ =	swait.ge [sflag:s2], $0x4000  }
0xb2: {  	[sflag:s2] =	ssyncset.done $0x0  }
0xb3: {  	[sflag:s2] =	ssyncadd.s32 $0xFFFFC000  }
0xb4: {  	_ =	swait.ge [sflag:s2], $0x4000  }
0xb5: {  	[sflag:s2] =	ssyncset.done $0x0  }
0xb6: {  	[sflag:s2] =	ssyncadd.s32 $0xFFFFC000  }
0xb7: {  	_ =	swait.ge [sflag:s2], $0x4000  }
0xb8: {  	[sflag:s2] =	ssyncset.done $0x0  }
0xb9: {  	[sflag:s2] =	ssyncadd.s32 $0xFFFFC000  }
0xba: {  	_ =	swait.ge [sflag:s2], $0x4000  }
0xbb: {  	[sflag:s2] =	ssyncset.done $0x0  }
0xbc: {  	[sflag:s2] =	ssyncadd.s32 $0xFFFFC000  }
0xbd: {  	_ =	swait.ge [sflag:s2], $0x4000  }
0xbe: {  	[sflag:s2] =	ssyncset.done $0x0  }
0xbf: {  	[sflag:s2] =	ssyncadd.s32 $0xFFFFC000  }
0xc0: {  	_ =	swait.ge [sflag:s2], $0x4000  }
0xc1: {  	[sflag:s2] =	ssyncset.done $0x0  }
0xc2: {  	[sflag:s2] =	ssyncadd.s32 $0xFFFFC000  }
0xc3: {  	_ =	swait.ge [sflag:s2], $0x4000  }
0xc4: {  	[sflag:s2] =	ssyncset.done $0x0  }
0xc5: {  	[sflag:s2] =	ssyncadd.s32 $0xFFFFC000  }
0xc6: {  	_ =	swait.ge [sflag:s2], $0x4000  }
0xc7: {  	[sflag:s2] =	ssyncset.done $0x0  }
0xc8: {  	[sflag:s2] =	ssyncadd.s32 $0xFFFFC000  }
0xc9: {  	_ =	swait.ge [sflag:s2], $0x4000  }
0xca: {  	[sflag:s2] =	ssyncset.done $0x0  }
0xcb: {  	[sflag:s2] =	ssyncadd.s32 $0xFFFFC000  }
0xcc: {  	_ =	swait.ge [sflag:s2], $0x4000  }
0xcd: {  	[sflag:s2] =	ssyncset.done $0x0  }
0xce: {  	[sflag:s2] =	ssyncadd.s32 $0xFFFFC000  }
0xcf: {  	p0 =	sne.s32 s8, $0x1;
	_ =	swait.ge [sflag:s2], $0x4000  }
.Ltmp0:
0xd0: {  	[sflag:s2] =	ssyncset.done $0x0;
	(pc) =	sbr.rel @p0 .LBB2_1-.Ltmp0, $4  }
0xd1: {  	[sflag:s2] =	ssyncadd.s32 $0xFFFFC000  }
0xd2: {  	_ =	swait.ge [sflag:s2], $0x4000  }
0xd3: {  	[sflag:s2] =	ssyncset.done $0x0  }
0xd4: {  	s8 =	sadd.s32 $0xFFFFFFFF, s8;
	[sflag:s2] =	ssyncadd.s32 $0xFFFFC000  }
0xd5: {  	_ =	sfence.sel $0x180000  }
0xd6: {  	[bflag:$0x0] =	sbarrier.arrive $0xFFFF  }
0xd7: {  	_ =	strace $0x90000047  }
0xd8: {  	s0 =	stileid.u32;
	[bflag:$0x2] =	sbarrier.arrive $0xFFFF  }
0xd9: {  	p0 =	sne.s32 s0, $0x0;
	s0 =	rddreg [dreg:$0x3]  }
0xda: {  	s0 =	sadd.s32 @!p0 $0x100000, s0  }
0xdb: {  	[sflag:s0] =	ssyncadd.tile.s32 @!p0 $0x1;
	_ =	shalt  }
.Lfunc_end2:
_tile_overlayer_lowered:
.L_overlay_start_2:
0xdc: {  	(tag) =	ssettag $0x2  }
0xdd: {  	s0 =	rddreg [dreg:$0x0];
	s2 =	stileid.u32  }
0xde: {  	s1 =	rddreg [dreg:$0x1];
	p0 =	sne.s32 s2, $0x0  }
0xdf: {  	s3 =	rddreg [dreg:$0x2];
	[bflag:$0x3] =	sbarrier.arrive $0xFFFF;
	s2 =	simm.s32 @!p0 $0x1C03  }
0xe0: {  	[timem:s3], [sflag:s2] =	dma.local @!p0 [hbm:s0], s1  }
0xe1: {  	s0 =	simm.s32 @!p0 $0x3  }
0xe2: {  	_ =	swait.ge @!p0 [sflag:s0], s1  }
0xe3: {  	s1 =	ssub.s32 @!p0 $0x0, s1;
	[sflag:s0] =	ssyncset.done @!p0 $0x0  }
0xe4: {  	[sflag:s0] =	ssyncadd.s32 @!p0 s1  }
0xe5: {  	[bflag:$0x3] =	sbarrier.arrive $0xFFFF  }
0xe6: {  	_ =	shalt  }

</sc_bundles>
